<compile_context>
chip_gen: v7x
topology: tpu7x:2x2x1
jax: 0.10.2.dev20260603
libtpu: 0.0.44.dev20260713+nightly
codegen_flags: <defaults>
</compile_context>

<pallas_src>
import jax
import jax.numpy as jnp
from jax import lax
from jax.experimental import pallas as pl
from jax.experimental.pallas import tpu as pltpu
from jax.experimental.pallas import tpu_sc as plsc

B, L, V, D = 4096, 50, 100000, 300
DA = 256
TAIL0 = D - 128
DT = 48
NC, NS = 2, 16
NW = NC * NS
BPW = B // NW
LANES = 16


def _pool_a_body(batcht_hbm, piece_hbm, pooled_hbm, idx_s, rows0, rows1,
                 out_v, sem0, sem1):
    nch = DA // LANES
    wid = lax.axis_index("s") * NC + lax.axis_index("c")
    base = wid * BPW
    pltpu.sync_copy(batcht_hbm.at[:, pl.ds(base, BPW)], idx_s)

    bufs = ((rows0, sem0), (rows1, sem1))

    def gather_copies(r, buf, sem):
        return [
            pltpu.make_async_copy(
                piece_hbm.at[idx_s.at[r], pl.ds(ct * 128, 128)],
                buf.at[:, pl.ds(ct * 128, 128)], sem)
            for ct in range(DA // 128)
        ]

    def gather_start(r, buf, sem):
        for c in gather_copies(r, buf, sem):
            c.start()

    def gather_wait(r, buf, sem):
        for c in gather_copies(r, buf, sem):
            c.wait()

    gather_start(0, rows0, sem0)
    gather_start(1, rows1, sem1)

    zero = jnp.zeros((LANES,), jnp.float32)

    def zbody(e, carry):
        for j in range(nch):
            out_v[e, pl.ds(LANES * j, LANES)] = zero
        return carry

    lax.fori_loop(0, BPW, zbody, 0)

    def accumulate(buf):
        def ebody(e, carry):
            for j in range(nch):
                plsc.addupdate(out_v.at[e, pl.ds(LANES * j, LANES)],
                               buf[e, pl.ds(LANES * j, LANES)])
            return carry
        lax.fori_loop(0, BPW, ebody, 0)

    def pair(i, carry):
        r0 = i * 2
        for b in range(2):
            buf, sem = bufs[b]
            r = r0 + b
            gather_wait(r, buf, sem)
            accumulate(buf)
            nxt = r + 2

            @pl.when(nxt < L)
            def _():
                gather_start(nxt, buf, sem)
        return carry

    lax.fori_loop(0, L // 2, pair, 0)
    pltpu.sync_copy(out_v, pooled_hbm.at[pl.ds(base, BPW)])


def _pool_b_body(batcht_hbm, tail_hbm, pooled_hbm, idx_s, rows0, rows1,
                 out_v, sem0, sem1):
    offs = (80, 96, 112)
    wid = lax.axis_index("s") * NC + lax.axis_index("c")
    base = wid * BPW
    pltpu.sync_copy(batcht_hbm.at[:, pl.ds(base, BPW)], idx_s)

    bufs = ((rows0, sem0), (rows1, sem1))

    def gather(r, buf, sem):
        return pltpu.make_async_copy(tail_hbm.at[idx_s.at[r]], buf, sem)

    gather(0, rows0, sem0).start()
    gather(1, rows1, sem1).start()

    zero = jnp.zeros((LANES,), jnp.float32)

    def zbody(e, carry):
        for j in range(3):
            out_v[e, pl.ds(LANES * j, LANES)] = zero
        return carry

    lax.fori_loop(0, BPW, zbody, 0)

    def accumulate(buf):
        def ebody(e, carry):
            for j in range(3):
                plsc.addupdate(out_v.at[e, pl.ds(LANES * j, LANES)],
                               buf[e, pl.ds(offs[j], LANES)])
            return carry
        lax.fori_loop(0, BPW, ebody, 0)

    def pair(i, carry):
        r0 = i * 2
        for b in range(2):
            buf, sem = bufs[b]
            r = r0 + b
            gather(r, buf, sem).wait()
            accumulate(buf)
            nxt = r + 2

            @pl.when(nxt < L)
            def _():
                gather(nxt, buf, sem).start()
        return carry

    lax.fori_loop(0, L // 2, pair, 0)
    pltpu.sync_copy(out_v, pooled_hbm.at[pl.ds(base, BPW)])


def _make_pool(body, width, out_w):
    mesh = plsc.VectorSubcoreMesh(core_axis_name="c", subcore_axis_name="s")
    return pl.kernel(
        body,
        mesh=mesh,
        out_type=jax.ShapeDtypeStruct((B, out_w), jnp.float32),
        scratch_types=[
            pltpu.VMEM((L, BPW), jnp.int32),
            pltpu.VMEM((BPW, width), jnp.float32),
            pltpu.VMEM((BPW, width), jnp.float32),
            pltpu.VMEM((BPW, out_w), jnp.float32),
            pltpu.SemaphoreType.DMA,
            pltpu.SemaphoreType.DMA,
        ],
    )


def _mlp_body(xa_ref, xb_ref, lens_ref, w1a_ref, w1b_ref, b1_ref, w2_ref,
              b2_ref, w3_ref, b3_ref, o_ref):
    recip = 1.0 / lens_ref[...].astype(jnp.float32)
    xa = xa_ref[...] * recip
    xb = xb_ref[...] * recip
    cdims = (((1,), (1,)), ((), ()))
    h1 = (lax.dot_general(xa, w1a_ref[...], cdims,
                          preferred_element_type=jnp.float32)
          + lax.dot_general(xb, w1b_ref[...], cdims,
                            preferred_element_type=jnp.float32))
    h1 = jnp.maximum(h1 + b1_ref[...], 0.0)
    h2 = lax.dot_general(h1, w2_ref[...], cdims,
                         preferred_element_type=jnp.float32)
    h2 = jnp.maximum(h2 + b2_ref[...], 0.0)
    h3 = jnp.sum(h2 * w3_ref[...], axis=1, keepdims=True)
    o_ref[...] = h3 + b3_ref[0, 0]


def _mlp(pooled_a, pooled_b, lens, W1a, W1b, b1, W2, b2, W3, b3):
    BB = 512
    grid = (B // BB,)
    return pl.pallas_call(
        _mlp_body,
        grid=grid,
        in_specs=[
            pl.BlockSpec((BB, DA), lambda i: (i, 0)),
            pl.BlockSpec((BB, DT), lambda i: (i, 0)),
            pl.BlockSpec((BB, 1), lambda i: (i, 0)),
            pl.BlockSpec((150, DA), lambda i: (0, 0)),
            pl.BlockSpec((150, DT), lambda i: (0, 0)),
            pl.BlockSpec((1, 150), lambda i: (0, 0)),
            pl.BlockSpec((150, 150), lambda i: (0, 0)),
            pl.BlockSpec((1, 150), lambda i: (0, 0)),
            pl.BlockSpec((1, 150), lambda i: (0, 0)),
            pl.BlockSpec(memory_space=pltpu.MemorySpace.SMEM),
        ],
        out_specs=pl.BlockSpec((BB, 1), lambda i: (i, 0)),
        out_shape=jax.ShapeDtypeStruct((B, 1), jnp.float32),
    )(pooled_a, pooled_b, lens, W1a, W1b, b1, W2, b2, W3, b3)


def kernel(batch, lens, table, W1, b1, W2, b2, W3, b3):
    batcht = batch.T
    tail_table = table[:, TAIL0:]
    pooled_a = _make_pool(_pool_a_body, DA, DA)(batcht, table)
    tail2, pooled_a = lax.optimization_barrier((tail_table, pooled_a))
    pooled_b = _make_pool(_pool_b_body, 128, DT)(batcht, tail2)
    W1b = jnp.pad(W1[:, DA:], ((0, 0), (4, 0)))
    W1a = W1[:, :DA]
    lens2 = lens.reshape(B, 1)
    out = _mlp(pooled_a, pooled_b, lens2, W1a, W1b, b1.reshape(1, 150), W2,
               b2.reshape(1, 150), W3, b3.reshape(1, 1))
    return out.reshape((B,))

# --- scband reference (transcript-rebuilt; emitter-appended) ---
"""Pipeline reference for scband-avg-pooling-model-22265110462945 (READ-ONLY COPY).

The authoritative reference and input builder live on the scoring server;
editing this copy changes nothing except your own understanding.
"""

import jax, jax.numpy as jnp
import numpy as np

B, L, V, D = 4096, 50, 100000, 300


def setup_inputs(seed: int = 0) -> dict:
    key = jax.random.key(seed)
    ks = jax.random.split(key, 10)
    batch = jax.random.randint(ks[0], (B, L), 0, V)
    lens = jax.random.randint(ks[1], (B,), 1, L + 1)
    table = jax.random.normal(ks[2], (V, D), dtype=jnp.float32) * 0.02
    W1 = jax.random.normal(ks[3], (150, D), dtype=jnp.float32) * (1.0 / np.sqrt(D))
    b1 = jnp.zeros((150,), dtype=jnp.float32)
    W2 = jax.random.normal(ks[4], (150, 150), dtype=jnp.float32) * (1.0 / np.sqrt(150))
    b2 = jnp.zeros((150,), dtype=jnp.float32)
    W3 = jax.random.normal(ks[5], (1, 150), dtype=jnp.float32) * (1.0 / np.sqrt(150))
    b3 = jnp.zeros((1,), dtype=jnp.float32)
    return {"batch": batch, "lens": lens, "table": table,
            "W1": W1, "b1": b1, "W2": W2, "b2": b2, "W3": W3, "b3": b3}


def reference(batch, lens, table, W1, b1, W2, b2, W3, b3):
    # embedding lookup: [B, L, D]
    batch_embedded = jnp.take(table, batch, axis=0)
    # sum over sequence dim, divide each row by its true length
    batch_summed = batch_embedded.sum(axis=1)
    batch_averaged = batch_summed / lens.astype(jnp.float32)[:, None]
    h1 = jax.nn.relu(batch_averaged @ W1.T + b1)
    h2 = jax.nn.relu(h1 @ W2.T + b2)
    h3 = h2 @ W3.T + b3
    return h3.reshape((h3.shape[0],))

if __name__ == "__main__":
    import jax
    _d = setup_inputs()
    print(jax.jit(kernel)(*tuple(_d.values())))

</pallas_src>

<mosaic_0001>
#map = affine_map<(d0, d1) -> (0, 0)>
module attributes {stable_mosaic.version = 14 : i64} {
  func.func @_pool_a_body(%arg0: i32, %arg1: i32, %arg2: memref<50x4096xi32, #tpu.memory_space<hbm>>, %arg3: memref<100000x300xf32, #tpu.memory_space<hbm>>, %arg4: memref<4096x256xf32, #tpu.memory_space<hbm>>, %arg5: memref<50x128xi32, #tpu.memory_space<vmem>>, %arg6: memref<128x256xf32, #tpu.memory_space<vmem>>, %arg7: memref<128x256xf32, #tpu.memory_space<vmem>>, %arg8: memref<128x256xf32, #tpu.memory_space<vmem>>, %arg9: memref<!tpu.dma_semaphore, #tpu.memory_space<semaphore_mem>>, %arg10: memref<!tpu.dma_semaphore, #tpu.memory_space<semaphore_mem>>) attributes {dimension_semantics = [#tpu.dimension_semantics<core_parallel>, #tpu.dimension_semantics<subcore_parallel>], iteration_bounds = array<i64: 2, 16>, scalar_prefetch = 0 : i64, scratch_operands = 6 : i64, tpu.core_type = #tpu.core_type<sc_vector_subcore>, window_params = [{transform_indices = #map}, {transform_indices = #map}, {transform_indices = #map}]} {
    %mul3A = arith.constant 2 : i32
    %mul3A_0 = arith.muli %arg1, %mul3A : i32
    %add3A = arith.addi %mul3A_0, %arg0 : i32
    %mul3A_1 = arith.constant 128 : i32
    %mul3A_2 = arith.muli %add3A, %mul3A_1 : i32
    "tpu.region"() ({
      %run_scoped3A = tpu.sem_alloc : memref<!tpu.dma_semaphore, #tpu.memory_space<semaphore_mem>>
      %dma_start3A_54 = arith.constant 0 : i32
      %dma_start3A_55 = tpu.memref_slice %arg2[%dma_start3A_54, %mul3A_2] : memref<50x4096xi32, #tpu.memory_space<hbm>> -> memref<50x128xi32, #tpu.memory_space<hbm>>
      %dma_start3A_56 = arith.constant 0 : i32
      %dma_start3A_57 = tpu.memref_slice %arg2[%dma_start3A_56, %mul3A_2] : memref<50x4096xi32, #tpu.memory_space<hbm>> -> memref<50x128xi32, #tpu.memory_space<hbm>>
      tpu.enqueue_dma source(%dma_start3A_57 : memref<50x128xi32, #tpu.memory_space<hbm>>) target(%arg5 : memref<50x128xi32, #tpu.memory_space<vmem>>) target_semaphore(%run_scoped3A : memref<!tpu.dma_semaphore, #tpu.memory_space<semaphore_mem>>)
      %dma_wait3A = arith.constant 0 : i32
      %dma_wait3A_58 = tpu.memref_slice %arg2[%dma_wait3A, %mul3A_2] : memref<50x4096xi32, #tpu.memory_space<hbm>> -> memref<50x128xi32, #tpu.memory_space<hbm>>
      %dma_wait3A_59 = arith.constant 0 : i32
      %dma_wait3A_60 = tpu.memref_slice %arg2[%dma_wait3A_59, %mul3A_2] : memref<50x4096xi32, #tpu.memory_space<hbm>> -> memref<50x128xi32, #tpu.memory_space<hbm>>
      tpu.wait_dma2 semaphore(%run_scoped3A : memref<!tpu.dma_semaphore, #tpu.memory_space<semaphore_mem>>) src(%dma_wait3A_60 : memref<50x128xi32, #tpu.memory_space<hbm>>) dst(%arg5 : memref<50x128xi32, #tpu.memory_space<vmem>>)
      tpu.yield
    }) : () -> ()
    %dma_start3A = arith.constant 0 : i32
    %dma_start3A_3 = arith.constant 0 : i32
    %dma_start3A_4 = arith.constant 0 : i32
    %dma_start3A_5 = tpu.memref_slice %arg6[%dma_start3A_3, %dma_start3A_4] : memref<128x256xf32, #tpu.memory_space<vmem>> -> memref<128x128xf32, #tpu.memory_space<vmem>>
    %dma_start3A_6 = arith.constant 0 : i32
    %dma_start3A_7 = tpu.memref_slice %arg5[%dma_start3A, %dma_start3A_6] : memref<50x128xi32, #tpu.memory_space<vmem>> -> memref<1x128xi32, #tpu.memory_space<vmem>>
    %dma_start3A_8 = tpu.memref_squeeze %dma_start3A_7 : memref<1x128xi32, #tpu.memory_space<vmem>> -> memref<128xi32, #tpu.memory_space<vmem>>
    %dma_start3A_9 = arith.constant 0 : i32
    %dma_start3A_10 = arith.constant 0 : i32
    %dma_start3A_11 = tpu.memref_slice %arg3[%dma_start3A_9, %dma_start3A_10] : memref<100000x300xf32, #tpu.memory_space<hbm>> -> memref<100000x128xf32, #tpu.memory_space<hbm>>
    tpu.enqueue_indirect_dma source(%dma_start3A_11 : memref<100000x128xf32, #tpu.memory_space<hbm>>) target(%dma_start3A_5 : memref<128x128xf32, #tpu.memory_space<vmem>>) offsets(%dma_start3A_8 : memref<128xi32, #tpu.memory_space<vmem>>) semaphore(%arg9 : memref<!tpu.dma_semaphore, #tpu.memory_space<semaphore_mem>>)
    %dma_start3A_12 = arith.constant 0 : i32
    %dma_start3A_13 = arith.constant 0 : i32
    %dma_start3A_14 = arith.constant 128 : i32
    %dma_start3A_15 = tpu.memref_slice %arg6[%dma_start3A_13, %dma_start3A_14] : memref<128x256xf32, #tpu.memory_space<vmem>> -> memref<128x128xf32, #tpu.memory_space<vmem>>
    %dma_start3A_16 = arith.constant 0 : i32
    %dma_start3A_17 = tpu.memref_slice %arg5[%dma_start3A_12, %dma_start3A_16] : memref<50x128xi32, #tpu.memory_space<vmem>> -> memref<1x128xi32, #tpu.memory_space<vmem>>
    %dma_start3A_18 = tpu.memref_squeeze %dma_start3A_17 : memref<1x128xi32, #tpu.memory_space<vmem>> -> memref<128xi32, #tpu.memory_space<vmem>>
    %dma_start3A_19 = arith.constant 0 : i32
    %dma_start3A_20 = arith.constant 128 : i32
    %dma_start3A_21 = tpu.memref_slice %arg3[%dma_start3A_19, %dma_start3A_20] : memref<100000x300xf32, #tpu.memory_space<hbm>> -> memref<100000x128xf32, #tpu.memory_space<hbm>>
    tpu.enqueue_indirect_dma source(%dma_start3A_21 : memref<100000x128xf32, #tpu.memory_space<hbm>>) target(%dma_start3A_15 : memref<128x128xf32, #tpu.memory_space<vmem>>) offsets(%dma_start3A_18 : memref<128xi32, #tpu.memory_space<vmem>>) semaphore(%arg9 : memref<!tpu.dma_semaphore, #tpu.memory_space<semaphore_mem>>)
    %dma_start3A_22 = arith.constant 1 : i32
    %dma_start3A_23 = arith.constant 0 : i32
    %dma_start3A_24 = arith.constant 0 : i32
    %dma_start3A_25 = tpu.memref_slice %arg7[%dma_start3A_23, %dma_start3A_24] : memref<128x256xf32, #tpu.memory_space<vmem>> -> memref<128x128xf32, #tpu.memory_space<vmem>>
    %dma_start3A_26 = arith.constant 0 : i32
    %dma_start3A_27 = tpu.memref_slice %arg5[%dma_start3A_22, %dma_start3A_26] : memref<50x128xi32, #tpu.memory_space<vmem>> -> memref<1x128xi32, #tpu.memory_space<vmem>>
    %dma_start3A_28 = tpu.memref_squeeze %dma_start3A_27 : memref<1x128xi32, #tpu.memory_space<vmem>> -> memref<128xi32, #tpu.memory_space<vmem>>
    %dma_start3A_29 = arith.constant 0 : i32
    %dma_start3A_30 = arith.constant 0 : i32
    %dma_start3A_31 = tpu.memref_slice %arg3[%dma_start3A_29, %dma_start3A_30] : memref<100000x300xf32, #tpu.memory_space<hbm>> -> memref<100000x128xf32, #tpu.memory_space<hbm>>
    tpu.enqueue_indirect_dma source(%dma_start3A_31 : memref<100000x128xf32, #tpu.memory_space<hbm>>) target(%dma_start3A_25 : memref<128x128xf32, #tpu.memory_space<vmem>>) offsets(%dma_start3A_28 : memref<128xi32, #tpu.memory_space<vmem>>) semaphore(%arg10 : memref<!tpu.dma_semaphore, #tpu.memory_space<semaphore_mem>>)
    %dma_start3A_32 = arith.constant 1 : i32
    %dma_start3A_33 = arith.constant 0 : i32
    %dma_start3A_34 = arith.constant 128 : i32
    %dma_start3A_35 = tpu.memref_slice %arg7[%dma_start3A_33, %dma_start3A_34] : memref<128x256xf32, #tpu.memory_space<vmem>> -> memref<128x128xf32, #tpu.memory_space<vmem>>
    %dma_start3A_36 = arith.constant 0 : i32
    %dma_start3A_37 = tpu.memref_slice %arg5[%dma_start3A_32, %dma_start3A_36] : memref<50x128xi32, #tpu.memory_space<vmem>> -> memref<1x128xi32, #tpu.memory_space<vmem>>
    %dma_start3A_38 = tpu.memref_squeeze %dma_start3A_37 : memref<1x128xi32, #tpu.memory_space<vmem>> -> memref<128xi32, #tpu.memory_space<vmem>>
    %dma_start3A_39 = arith.constant 0 : i32
    %dma_start3A_40 = arith.constant 128 : i32
    %dma_start3A_41 = tpu.memref_slice %arg3[%dma_start3A_39, %dma_start3A_40] : memref<100000x300xf32, #tpu.memory_space<hbm>> -> memref<100000x128xf32, #tpu.memory_space<hbm>>
    tpu.enqueue_indirect_dma source(%dma_start3A_41 : memref<100000x128xf32, #tpu.memory_space<hbm>>) target(%dma_start3A_35 : memref<128x128xf32, #tpu.memory_space<vmem>>) offsets(%dma_start3A_38 : memref<128xi32, #tpu.memory_space<vmem>>) semaphore(%arg10 : memref<!tpu.dma_semaphore, #tpu.memory_space<semaphore_mem>>)
    %broadcast_in_dim3A = arith.constant 0.000000e+00 : f32
    %broadcast_in_dim3A_42 = vector.broadcast %broadcast_in_dim3A : f32 to vector<16xf32>
    %scan3A = arith.constant 0 : i32
    %scan3A_43 = arith.constant 0 : i32
    %scan3A_44 = arith.constant 128 : i32
    %scan3A_45 = arith.addi %scan3A_43, %scan3A_44 : i32
    %scan3A_46 = arith.constant 1 : i32
    scf.for %scan3A_54 = %scan3A_43 to %scan3A_45 step %scan3A_46  : i32 {
      %swap3A = arith.index_cast %scan3A_54 : i32 to index
      %swap3A_55 = arith.constant 0 : index
      %swap3A_56 = tpu.vector_load %arg8[%swap3A, %swap3A_55] {strides = array<i32>} : memref<128x256xf32, #tpu.memory_space<vmem>>, vector<1x16xf32>,
      %swap3A_57 = vector.shape_cast %swap3A_56 : vector<1x16xf32> to vector<16xf32>
      %swap3A_58 = vector.shape_cast %broadcast_in_dim3A_42 : vector<16xf32> to vector<1x16xf32>
      tpu.vector_store %arg8[%swap3A, %swap3A_55], %swap3A_58 {strides = array<i32>} : memref<128x256xf32, #tpu.memory_space<vmem>>, vector<1x16xf32>,
      %swap3A_59 = arith.index_cast %scan3A_54 : i32 to index
      %swap3A_60 = arith.constant 16 : index
      %swap3A_61 = tpu.vector_load %arg8[%swap3A_59, %swap3A_60] {strides = array<i32>} : memref<128x256xf32, #tpu.memory_space<vmem>>, vector<1x16xf32>,
      %swap3A_62 = vector.shape_cast %swap3A_61 : vector<1x16xf32> to vector<16xf32>
      %swap3A_63 = vector.shape_cast %broadcast_in_dim3A_42 : vector<16xf32> to vector<1x16xf32>
      tpu.vector_store %arg8[%swap3A_59, %swap3A_60], %swap3A_63 {strides = array<i32>} : memref<128x256xf32, #tpu.memory_space<vmem>>, vector<1x16xf32>,
      %swap3A_64 = arith.index_cast %scan3A_54 : i32 to index
      %swap3A_65 = arith.constant 32 : index
      %swap3A_66 = tpu.vector_load %arg8[%swap3A_64, %swap3A_65] {strides = array<i32>} : memref<128x256xf32, #tpu.memory_space<vmem>>, vector<1x16xf32>,
      %swap3A_67 = vector.shape_cast %swap3A_66 : vector<1x16xf32> to vector<16xf32>
      %swap3A_68 = vector.shape_cast %broadcast_in_dim3A_42 : vector<16xf32> to vector<1x16xf32>
      tpu.vector_store %arg8[%swap3A_64, %swap3A_65], %swap3A_68 {strides = array<i32>} : memref<128x256xf32, #tpu.memory_space<vmem>>, vector<1x16xf32>,
      %swap3A_69 = arith.index_cast %scan3A_54 : i32 to index
      %swap3A_70 = arith.constant 48 : index
      %swap3A_71 = tpu.vector_load %arg8[%swap3A_69, %swap3A_70] {strides = array<i32>} : memref<128x256xf32, #tpu.memory_space<vmem>>, vector<1x16xf32>,
      %swap3A_72 = vector.shape_cast %swap3A_71 : vector<1x16xf32> to vector<16xf32>
      %swap3A_73 = vector.shape_cast %broadcast_in_dim3A_42 : vector<16xf32> to vector<1x16xf32>
      tpu.vector_store %arg8[%swap3A_69, %swap3A_70], %swap3A_73 {strides = array<i32>} : memref<128x256xf32, #tpu.memory_space<vmem>>, vector<1x16xf32>,
      %swap3A_74 = arith.index_cast %scan3A_54 : i32 to index
      %swap3A_75 = arith.constant 64 : index
      %swap3A_76 = tpu.vector_load %arg8[%swap3A_74, %swap3A_75] {strides = array<i32>} : memref<128x256xf32, #tpu.memory_space<vmem>>, vector<1x16xf32>,
      %swap3A_77 = vector.shape_cast %swap3A_76 : vector<1x16xf32> to vector<16xf32>
      %swap3A_78 = vector.shape_cast %broadcast_in_dim3A_42 : vector<16xf32> to vector<1x16xf32>
      tpu.vector_store %arg8[%swap3A_74, %swap3A_75], %swap3A_78 {strides = array<i32>} : memref<128x256xf32, #tpu.memory_space<vmem>>, vector<1x16xf32>,
      %swap3A_79 = arith.index_cast %scan3A_54 : i32 to index
      %swap3A_80 = arith.constant 80 : index
      %swap3A_81 = tpu.vector_load %arg8[%swap3A_79, %swap3A_80] {strides = array<i32>} : memref<128x256xf32, #tpu.memory_space<vmem>>, vector<1x16xf32>,
      %swap3A_82 = vector.shape_cast %swap3A_81 : vector<1x16xf32> to vector<16xf32>
      %swap3A_83 = vector.shape_cast %broadcast_in_dim3A_42 : vector<16xf32> to vector<1x16xf32>
      tpu.vector_store %arg8[%swap3A_79, %swap3A_80], %swap3A_83 {strides = array<i32>} : memref<128x256xf32, #tpu.memory_space<vmem>>, vector<1x16xf32>,
      %swap3A_84 = arith.index_cast %scan3A_54 : i32 to index
      %swap3A_85 = arith.constant 96 : index
      %swap3A_86 = tpu.vector_load %arg8[%swap3A_84, %swap3A_85] {strides = array<i32>} : memref<128x256xf32, #tpu.memory_space<vmem>>, vector<1x16xf32>,
      %swap3A_87 = vector.shape_cast %swap3A_86 : vector<1x16xf32> to vector<16xf32>
      %swap3A_88 = vector.shape_cast %broadcast_in_dim3A_42 : vector<16xf32> to vector<1x16xf32>
      tpu.vector_store %arg8[%swap3A_84, %swap3A_85], %swap3A_88 {strides = array<i32>} : memref<128x256xf32, #tpu.memory_space<vmem>>, vector<1x16xf32>,
      %swap3A_89 = arith.index_cast %scan3A_54 : i32 to index
      %swap3A_90 = arith.constant 112 : index
      %swap3A_91 = tpu.vector_load %arg8[%swap3A_89, %swap3A_90] {strides = array<i32>} : memref<128x256xf32, #tpu.memory_space<vmem>>, vector<1x16xf32>,
      %swap3A_92 = vector.shape_cast %swap3A_91 : vector<1x16xf32> to vector<16xf32>
      %swap3A_93 = vector.shape_cast %broadcast_in_dim3A_42 : vector<16xf32> to vector<1x16xf32>
      tpu.vector_store %arg8[%swap3A_89, %swap3A_90], %swap3A_93 {strides = array<i32>} : memref<128x256xf32, #tpu.memory_space<vmem>>, vector<1x16xf32>,
      %swap3A_94 = arith.index_cast %scan3A_54 : i32 to index
      %swap3A_95 = arith.constant 128 : index
      %swap3A_96 = tpu.vector_load %arg8[%swap3A_94, %swap3A_95] {strides = array<i32>} : memref<128x256xf32, #tpu.memory_space<vmem>>, vector<1x16xf32>,
      %swap3A_97 = vector.shape_cast %swap3A_96 : vector<1x16xf32> to vector<16xf32>
      %swap3A_98 = vector.shape_cast %broadcast_in_dim3A_42 : vector<16xf32> to vector<1x16xf32>
      tpu.vector_store %arg8[%swap3A_94, %swap3A_95], %swap3A_98 {strides = array<i32>} : memref<128x256xf32, #tpu.memory_space<vmem>>, vector<1x16xf32>,
      %swap3A_99 = arith.index_cast %scan3A_54 : i32 to index
      %swap3A_100 = arith.constant 144 : index
      %swap3A_101 = tpu.vector_load %arg8[%swap3A_99, %swap3A_100] {strides = array<i32>} : memref<128x256xf32, #tpu.memory_space<vmem>>, vector<1x16xf32>,
      %swap3A_102 = vector.shape_cast %swap3A_101 : vector<1x16xf32> to vector<16xf32>
      %swap3A_103 = vector.shape_cast %broadcast_in_dim3A_42 : vector<16xf32> to vector<1x16xf32>
      tpu.vector_store %arg8[%swap3A_99, %swap3A_100], %swap3A_103 {strides = array<i32>} : memref<128x256xf32, #tpu.memory_space<vmem>>, vector<1x16xf32>,
      %swap3A_104 = arith.index_cast %scan3A_54 : i32 to index
      %swap3A_105 = arith.constant 160 : index
      %swap3A_106 = tpu.vector_load %arg8[%swap3A_104, %swap3A_105] {strides = array<i32>} : memref<128x256xf32, #tpu.memory_space<vmem>>, vector<1x16xf32>,
      %swap3A_107 = vector.shape_cast %swap3A_106 : vector<1x16xf32> to vector<16xf32>
      %swap3A_108 = vector.shape_cast %broadcast_in_dim3A_42 : vector<16xf32> to vector<1x16xf32>
      tpu.vector_store %arg8[%swap3A_104, %swap3A_105], %swap3A_108 {strides = array<i32>} : memref<128x256xf32, #tpu.memory_space<vmem>>, vector<1x16xf32>,
      %swap3A_109 = arith.index_cast %scan3A_54 : i32 to index
      %swap3A_110 = arith.constant 176 : index
      %swap3A_111 = tpu.vector_load %arg8[%swap3A_109, %swap3A_110] {strides = array<i32>} : memref<128x256xf32, #tpu.memory_space<vmem>>, vector<1x16xf32>,
      %swap3A_112 = vector.shape_cast %swap3A_111 : vector<1x16xf32> to vector<16xf32>
      %swap3A_113 = vector.shape_cast %broadcast_in_dim3A_42 : vector<16xf32> to vector<1x16xf32>
      tpu.vector_store %arg8[%swap3A_109, %swap3A_110], %swap3A_113 {strides = array<i32>} : memref<128x256xf32, #tpu.memory_space<vmem>>, vector<1x16xf32>,
      %swap3A_114 = arith.index_cast %scan3A_54 : i32 to index
      %swap3A_115 = arith.constant 192 : index
      %swap3A_116 = tpu.vector_load %arg8[%swap3A_114, %swap3A_115] {strides = array<i32>} : memref<128x256xf32, #tpu.memory_space<vmem>>, vector<1x16xf32>,
      %swap3A_117 = vector.shape_cast %swap3A_116 : vector<1x16xf32> to vector<16xf32>
      %swap3A_118 = vector.shape_cast %broadcast_in_dim3A_42 : vector<16xf32> to vector<1x16xf32>
      tpu.vector_store %arg8[%swap3A_114, %swap3A_115], %swap3A_118 {strides = array<i32>} : memref<128x256xf32, #tpu.memory_space<vmem>>, vector<1x16xf32>,
      %swap3A_119 = arith.index_cast %scan3A_54 : i32 to index
      %swap3A_120 = arith.constant 208 : index
      %swap3A_121 = tpu.vector_load %arg8[%swap3A_119, %swap3A_120] {strides = array<i32>} : memref<128x256xf32, #tpu.memory_space<vmem>>, vector<1x16xf32>,
      %swap3A_122 = vector.shape_cast %swap3A_121 : vector<1x16xf32> to vector<16xf32>
      %swap3A_123 = vector.shape_cast %broadcast_in_dim3A_42 : vector<16xf32> to vector<1x16xf32>
      tpu.vector_store %arg8[%swap3A_119, %swap3A_120], %swap3A_123 {strides = array<i32>} : memref<128x256xf32, #tpu.memory_space<vmem>>, vector<1x16xf32>,
      %swap3A_124 = arith.index_cast %scan3A_54 : i32 to index
      %swap3A_125 = arith.constant 224 : index
      %swap3A_126 = tpu.vector_load %arg8[%swap3A_124, %swap3A_125] {strides = array<i32>} : memref<128x256xf32, #tpu.memory_space<vmem>>, vector<1x16xf32>,
      %swap3A_127 = vector.shape_cast %swap3A_126 : vector<1x16xf32> to vector<16xf32>
      %swap3A_128 = vector.shape_cast %broadcast_in_dim3A_42 : vector<16xf32> to vector<1x16xf32>
      tpu.vector_store %arg8[%swap3A_124, %swap3A_125], %swap3A_128 {strides = array<i32>} : memref<128x256xf32, #tpu.memory_space<vmem>>, vector<1x16xf32>,
      %swap3A_129 = arith.index_cast %scan3A_54 : i32 to index
      %swap3A_130 = arith.constant 240 : index
      %swap3A_131 = tpu.vector_load %arg8[%swap3A_129, %swap3A_130] {strides = array<i32>} : memref<128x256xf32, #tpu.memory_space<vmem>>, vector<1x16xf32>,
      %swap3A_132 = vector.shape_cast %swap3A_131 : vector<1x16xf32> to vector<16xf32>
      %swap3A_133 = vector.shape_cast %broadcast_in_dim3A_42 : vector<16xf32> to vector<1x16xf32>
      tpu.vector_store %arg8[%swap3A_129, %swap3A_130], %swap3A_133 {strides = array<i32>} : memref<128x256xf32, #tpu.memory_space<vmem>>, vector<1x16xf32>,
    }
    %scan3A_47 = arith.constant 128 : i32
    %scan3A_48 = arith.constant 0 : i32
    %scan3A_49 = arith.constant 0 : i32
    %scan3A_50 = arith.constant 25 : i32
    %scan3A_51 = arith.addi %scan3A_49, %scan3A_50 : i32
    %scan3A_52 = arith.constant 1 : i32
    scf.for %scan3A_54 = %scan3A_49 to %scan3A_51 step %scan3A_52  : i32 {
      %mul3A_55 = arith.constant 2 : i32
      %mul3A_56 = arith.muli %scan3A_54, %mul3A_55 : i32
      %add3A_57 = arith.constant 0 : i32
      %add3A_58 = arith.addi %mul3A_56, %add3A_57 : i32
      %dma_wait3A = arith.constant 0 : i32
      %dma_wait3A_59 = arith.constant 0 : i32
      %dma_wait3A_60 = tpu.memref_slice %arg6[%dma_wait3A, %dma_wait3A_59] : memref<128x256xf32, #tpu.memory_space<vmem>> -> memref<128x128xf32, #tpu.memory_space<vmem>>
      %dma_wait3A_61 = arith.constant 0 : i32
      %dma_wait3A_62 = tpu.memref_slice %arg5[%add3A_58, %dma_wait3A_61] : memref<50x128xi32, #tpu.memory_space<vmem>> -> memref<1x128xi32, #tpu.memory_space<vmem>>
      %dma_wait3A_63 = tpu.memref_squeeze %dma_wait3A_62 : memref<1x128xi32, #tpu.memory_space<vmem>> -> memref<128xi32, #tpu.memory_space<vmem>>
      %dma_wait3A_64 = arith.constant 0 : i32
      %dma_wait3A_65 = arith.constant 0 : i32
      %dma_wait3A_66 = tpu.memref_slice %arg3[%dma_wait3A_64, %dma_wait3A_65] : memref<100000x300xf32, #tpu.memory_space<hbm>> -> memref<100000x128xf32, #tpu.memory_space<hbm>>
      tpu.wait_indirect_dma semaphore(%arg9 : memref<!tpu.dma_semaphore, #tpu.memory_space<semaphore_mem>>) src(%dma_wait3A_66 : memref<100000x128xf32, #tpu.memory_space<hbm>>) dst(%dma_wait3A_60 : memref<128x128xf32, #tpu.memory_space<vmem>>)
      %dma_wait3A_67 = arith.constant 0 : i32
      %dma_wait3A_68 = arith.constant 128 : i32
      %dma_wait3A_69 = tpu.memref_slice %arg6[%dma_wait3A_67, %dma_wait3A_68] : memref<128x256xf32, #tpu.memory_space<vmem>> -> memref<128x128xf32, #tpu.memory_space<vmem>>
      %dma_wait3A_70 = arith.constant 0 : i32
      %dma_wait3A_71 = tpu.memref_slice %arg5[%add3A_58, %dma_wait3A_70] : memref<50x128xi32, #tpu.memory_space<vmem>> -> memref<1x128xi32, #tpu.memory_space<vmem>>
      %dma_wait3A_72 = tpu.memref_squeeze %dma_wait3A_71 : memref<1x128xi32, #tpu.memory_space<vmem>> -> memref<128xi32, #tpu.memory_space<vmem>>
      %dma_wait3A_73 = arith.constant 0 : i32
      %dma_wait3A_74 = arith.constant 128 : i32
      %dma_wait3A_75 = tpu.memref_slice %arg3[%dma_wait3A_73, %dma_wait3A_74] : memref<100000x300xf32, #tpu.memory_space<hbm>> -> memref<100000x128xf32, #tpu.memory_space<hbm>>
      tpu.wait_indirect_dma semaphore(%arg9 : memref<!tpu.dma_semaphore, #tpu.memory_space<semaphore_mem>>) src(%dma_wait3A_75 : memref<100000x128xf32, #tpu.memory_space<hbm>>) dst(%dma_wait3A_69 : memref<128x128xf32, #tpu.memory_space<vmem>>)
      %scan3A_76 = arith.constant 0 : i32
      %scan3A_77 = arith.constant 0 : i32
      %scan3A_78 = arith.constant 128 : i32
      %scan3A_79 = arith.addi %scan3A_77, %scan3A_78 : i32
      %scan3A_80 = arith.constant 1 : i32
      scf.for %scan3A_119 = %scan3A_77 to %scan3A_79 step %scan3A_80  : i32 {
        %get3A = arith.index_cast %scan3A_119 : i32 to index
        %get3A_120 = arith.constant 0 : index
        %get3A_121 = tpu.vector_load %arg6[%get3A, %get3A_120] {strides = array<i32>} : memref<128x256xf32, #tpu.memory_space<vmem>>, vector<1x16xf32>,
        %get3A_122 = vector.shape_cast %get3A_121 : vector<1x16xf32> to vector<16xf32>
        %swap3A = arith.index_cast %scan3A_119 : i32 to index
        %swap3A_123 = arith.constant 0 : index
        %swap3A_124 = tpu.vector_load %arg8[%swap3A, %swap3A_123] {strides = array<i32>} : memref<128x256xf32, #tpu.memory_space<vmem>>, vector<1x16xf32>,
        %swap3A_125 = vector.shape_cast %swap3A_124 : vector<1x16xf32> to vector<16xf32>
        %swap3A_126 = vector.shape_cast %get3A_122 : vector<16xf32> to vector<1x16xf32>
        tpu.vector_store %arg8[%swap3A, %swap3A_123], %swap3A_126 {add = true, strides = array<i32>} : memref<128x256xf32, #tpu.memory_space<vmem>>, vector<1x16xf32>,
        %get3A_127 = arith.index_cast %scan3A_119 : i32 to index
        %get3A_128 = arith.constant 16 : index
        %get3A_129 = tpu.vector_load %arg6[%get3A_127, %get3A_128] {strides = array<i32>} : memref<128x256xf32, #tpu.memory_space<vmem>>, vector<1x16xf32>,
        %get3A_130 = vector.shape_cast %get3A_129 : vector<1x16xf32> to vector<16xf32>
        %swap3A_131 = arith.index_cast %scan3A_119 : i32 to index
        %swap3A_132 = arith.constant 16 : index
        %swap3A_133 = tpu.vector_load %arg8[%swap3A_131, %swap3A_132] {strides = array<i32>} : memref<128x256xf32, #tpu.memory_space<vmem>>, vector<1x16xf32>,
        %swap3A_134 = vector.shape_cast %swap3A_133 : vector<1x16xf32> to vector<16xf32>
        %swap3A_135 = vector.shape_cast %get3A_130 : vector<16xf32> to vector<1x16xf32>
        tpu.vector_store %arg8[%swap3A_131, %swap3A_132], %swap3A_135 {add = true, strides = array<i32>} : memref<128x256xf32, #tpu.memory_space<vmem>>, vector<1x16xf32>,
        %get3A_136 = arith.index_cast %scan3A_119 : i32 to index
        %get3A_137 = arith.constant 32 : index
        %get3A_138 = tpu.vector_load %arg6[%get3A_136, %get3A_137] {strides = array<i32>} : memref<128x256xf32, #tpu.memory_space<vmem>>, vector<1x16xf32>,
        %get3A_139 = vector.shape_cast %get3A_138 : vector<1x16xf32> to vector<16xf32>
        %swap3A_140 = arith.index_cast %scan3A_119 : i32 to index
        %swap3A_141 = arith.constant 32 : index
        %swap3A_142 = tpu.vector_load %arg8[%swap3A_140, %swap3A_141] {strides = array<i32>} : memref<128x256xf32, #tpu.memory_space<vmem>>, vector<1x16xf32>,
        %swap3A_143 = vector.shape_cast %swap3A_142 : vector<1x16xf32> to vector<16xf32>
        %swap3A_144 = vector.shape_cast %get3A_139 : vector<16xf32> to vector<1x16xf32>
        tpu.vector_store %arg8[%swap3A_140, %swap3A_141], %swap3A_144 {add = true, strides = array<i32>} : memref<128x256xf32, #tpu.memory_space<vmem>>, vector<1x16xf32>,
        %get3A_145 = arith.index_cast %scan3A_119 : i32 to index
        %get3A_146 = arith.constant 48 : index
        %get3A_147 = tpu.vector_load %arg6[%get3A_145, %get3A_146] {strides = array<i32>} : memref<128x256xf32, #tpu.memory_space<vmem>>, vector<1x16xf32>,
        %get3A_148 = vector.shape_cast %get3A_147 : vector<1x16xf32> to vector<16xf32>
        %swap3A_149 = arith.index_cast %scan3A_119 : i32 to index
        %swap3A_150 = arith.constant 48 : index
        %swap3A_151 = tpu.vector_load %arg8[%swap3A_149, %swap3A_150] {strides = array<i32>} : memref<128x256xf32, #tpu.memory_space<vmem>>, vector<1x16xf32>,
        %swap3A_152 = vector.shape_cast %swap3A_151 : vector<1x16xf32> to vector<16xf32>
        %swap3A_153 = vector.shape_cast %get3A_148 : vector<16xf32> to vector<1x16xf32>
        tpu.vector_store %arg8[%swap3A_149, %swap3A_150], %swap3A_153 {add = true, strides = array<i32>} : memref<128x256xf32, #tpu.memory_space<vmem>>, vector<1x16xf32>,
        %get3A_154 = arith.index_cast %scan3A_119 : i32 to index
        %get3A_155 = arith.constant 64 : index
        %get3A_156 = tpu.vector_load %arg6[%get3A_154, %get3A_155] {strides = array<i32>} : memref<128x256xf32, #tpu.memory_space<vmem>>, vector<1x16xf32>,
        %get3A_157 = vector.shape_cast %get3A_156 : vector<1x16xf32> to vector<16xf32>
        %swap3A_158 = arith.index_cast %scan3A_119 : i32 to index
        %swap3A_159 = arith.constant 64 : index
        %swap3A_160 = tpu.vector_load %arg8[%swap3A_158, %swap3A_159] {strides = array<i32>} : memref<128x256xf32, #tpu.memory_space<vmem>>, vector<1x16xf32>,
        %swap3A_161 = vector.shape_cast %swap3A_160 : vector<1x16xf32> to vector<16xf32>
        %swap3A_162 = vector.shape_cast %get3A_157 : vector<16xf32> to vector<1x16xf32>
        tpu.vector_store %arg8[%swap3A_158, %swap3A_159], %swap3A_162 {add = true, strides = array<i32>} : memref<128x256xf32, #tpu.memory_space<vmem>>, vector<1x16xf32>,
        %get3A_163 = arith.index_cast %scan3A_119 : i32 to index
        %get3A_164 = arith.constant 80 : index
        %get3A_165 = tpu.vector_load %arg6[%get3A_163, %get3A_164] {strides = array<i32>} : memref<128x256xf32, #tpu.memory_space<vmem>>, vector<1x16xf32>,
        %get3A_166 = vector.shape_cast %get3A_165 : vector<1x16xf32> to vector<16xf32>
        %swap3A_167 = arith.index_cast %scan3A_119 : i32 to index
        %swap3A_168 = arith.constant 80 : index
        %swap3A_169 = tpu.vector_load %arg8[%swap3A_167, %swap3A_168] {strides = array<i32>} : memref<128x256xf32, #tpu.memory_space<vmem>>, vector<1x16xf32>,
        %swap3A_170 = vector.shape_cast %swap3A_169 : vector<1x16xf32> to vector<16xf32>
        %swap3A_171 = vector.shape_cast %get3A_166 : vector<16xf32> to vector<1x16xf32>
        tpu.vector_store %arg8[%swap3A_167, %swap3A_168], %swap3A_171 {add = true, strides = array<i32>} : memref<128x256xf32, #tpu.memory_space<vmem>>, vector<1x16xf32>,
        %get3A_172 = arith.index_cast %scan3A_119 : i32 to index
        %get3A_173 = arith.constant 96 : index
        %get3A_174 = tpu.vector_load %arg6[%get3A_172, %get3A_173] {strides = array<i32>} : memref<128x256xf32, #tpu.memory_space<vmem>>, vector<1x16xf32>,
        %get3A_175 = vector.shape_cast %get3A_174 : vector<1x16xf32> to vector<16xf32>
        %swap3A_176 = arith.index_cast %scan3A_119 : i32 to index
        %swap3A_177 = arith.constant 96 : index
        %swap3A_178 = tpu.vector_load %arg8[%swap3A_176, %swap3A_177] {strides = array<i32>} : memref<128x256xf32, #tpu.memory_space<vmem>>, vector<1x16xf32>,
        %swap3A_179 = vector.shape_cast %swap3A_178 : vector<1x16xf32> to vector<16xf32>
        %swap3A_180 = vector.shape_cast %get3A_175 : vector<16xf32> to vector<1x16xf32>
        tpu.vector_store %arg8[%swap3A_176, %swap3A_177], %swap3A_180 {add = true, strides = array<i32>} : memref<128x256xf32, #tpu.memory_space<vmem>>, vector<1x16xf32>,
        %get3A_181 = arith.index_cast %scan3A_119 : i32 to index
        %get3A_182 = arith.constant 112 : index
        %get3A_183 = tpu.vector_load %arg6[%get3A_181, %get3A_182] {strides = array<i32>} : memref<128x256xf32, #tpu.memory_space<vmem>>, vector<1x16xf32>,
        %get3A_184 = vector.shape_cast %get3A_183 : vector<1x16xf32> to vector<16xf32>
        %swap3A_185 = arith.index_cast %scan3A_119 : i32 to index
        %swap3A_186 = arith.constant 112 : index
        %swap3A_187 = tpu.vector_load %arg8[%swap3A_185, %swap3A_186] {strides = array<i32>} : memref<128x256xf32, #tpu.memory_space<vmem>>, vector<1x16xf32>,
        %swap3A_188 = vector.shape_cast %swap3A_187 : vector<1x16xf32> to vector<16xf32>
        %swap3A_189 = vector.shape_cast %get3A_184 : vector<16xf32> to vector<1x16xf32>
        tpu.vector_store %arg8[%swap3A_185, %swap3A_186], %swap3A_189 {add = true, strides = array<i32>} : memref<128x256xf32, #tpu.memory_space<vmem>>, vector<1x16xf32>,
        %get3A_190 = arith.index_cast %scan3A_119 : i32 to index
        %get3A_191 = arith.constant 128 : index
        %get3A_192 = tpu.vector_load %arg6[%get3A_190, %get3A_191] {strides = array<i32>} : memref<128x256xf32, #tpu.memory_space<vmem>>, vector<1x16xf32>,
        %get3A_193 = vector.shape_cast %get3A_192 : vector<1x16xf32> to vector<16xf32>
        %swap3A_194 = arith.index_cast %scan3A_119 : i32 to index
        %swap3A_195 = arith.constant 128 : index
        %swap3A_196 = tpu.vector_load %arg8[%swap3A_194, %swap3A_195] {strides = array<i32>} : memref<128x256xf32, #tpu.memory_space<vmem>>, vector<1x16xf32>,
        %swap3A_197 = vector.shape_cast %swap3A_196 : vector<1x16xf32> to vector<16xf32>
        %swap3A_198 = vector.shape_cast %get3A_193 : vector<16xf32> to vector<1x16xf32>
        tpu.vector_store %arg8[%swap3A_194, %swap3A_195], %swap3A_198 {add = true, strides = array<i32>} : memref<128x256xf32, #tpu.memory_space<vmem>>, vector<1x16xf32>,
        %get3A_199 = arith.index_cast %scan3A_119 : i32 to index
        %get3A_200 = arith.constant 144 : index
        %get3A_201 = tpu.vector_load %arg6[%get3A_199, %get3A_200] {strides = array<i32>} : memref<128x256xf32, #tpu.memory_space<vmem>>, vector<1x16xf32>,
        %get3A_202 = vector.shape_cast %get3A_201 : vector<1x16xf32> to vector<16xf32>
        %swap3A_203 = arith.index_cast %scan3A_119 : i32 to index
        %swap3A_204 = arith.constant 144 : index
        %swap3A_205 = tpu.vector_load %arg8[%swap3A_203, %swap3A_204] {strides = array<i32>} : memref<128x256xf32, #tpu.memory_space<vmem>>, vector<1x16xf32>,
        %swap3A_206 = vector.shape_cast %swap3A_205 : vector<1x16xf32> to vector<16xf32>
        %swap3A_207 = vector.shape_cast %get3A_202 : vector<16xf32> to vector<1x16xf32>
        tpu.vector_store %arg8[%swap3A_203, %swap3A_204], %swap3A_207 {add = true, strides = array<i32>} : memref<128x256xf32, #tpu.memory_space<vmem>>, vector<1x16xf32>,
        %get3A_208 = arith.index_cast %scan3A_119 : i32 to index
        %get3A_209 = arith.constant 160 : index
        %get3A_210 = tpu.vector_load %arg6[%get3A_208, %get3A_209] {strides = array<i32>} : memref<128x256xf32, #tpu.memory_space<vmem>>, vector<1x16xf32>,
        %get3A_211 = vector.shape_cast %get3A_210 : vector<1x16xf32> to vector<16xf32>
        %swap3A_212 = arith.index_cast %scan3A_119 : i32 to index
        %swap3A_213 = arith.constant 160 : index
        %swap3A_214 = tpu.vector_load %arg8[%swap3A_212, %swap3A_213] {strides = array<i32>} : memref<128x256xf32, #tpu.memory_space<vmem>>, vector<1x16xf32>,
        %swap3A_215 = vector.shape_cast %swap3A_214 : vector<1x16xf32> to vector<16xf32>
        %swap3A_216 = vector.shape_cast %get3A_211 : vector<16xf32> to vector<1x16xf32>
        tpu.vector_store %arg8[%swap3A_212, %swap3A_213], %swap3A_216 {add = true, strides = array<i32>} : memref<128x256xf32, #tpu.memory_space<vmem>>, vector<1x16xf32>,
        %get3A_217 = arith.index_cast %scan3A_119 : i32 to index
        %get3A_218 = arith.constant 176 : index
        %get3A_219 = tpu.vector_load %arg6[%get3A_217, %get3A_218] {strides = array<i32>} : memref<128x256xf32, #tpu.memory_space<vmem>>, vector<1x16xf32>,
        %get3A_220 = vector.shape_cast %get3A_219 : vector<1x16xf32> to vector<16xf32>
        %swap3A_221 = arith.index_cast %scan3A_119 : i32 to index
        %swap3A_222 = arith.constant 176 : index
        %swap3A_223 = tpu.vector_load %arg8[%swap3A_221, %swap3A_222] {strides = array<i32>} : memref<128x256xf32, #tpu.memory_space<vmem>>, vector<1x16xf32>,
        %swap3A_224 = vector.shape_cast %swap3A_223 : vector<1x16xf32> to vector<16xf32>
        %swap3A_225 = vector.shape_cast %get3A_220 : vector<16xf32> to vector<1x16xf32>
        tpu.vector_store %arg8[%swap3A_221, %swap3A_222], %swap3A_225 {add = true, strides = array<i32>} : memref<128x256xf32, #tpu.memory_space<vmem>>, vector<1x16xf32>,
        %get3A_226 = arith.index_cast %scan3A_119 : i32 to index
        %get3A_227 = arith.constant 192 : index
        %get3A_228 = tpu.vector_load %arg6[%get3A_226, %get3A_227] {strides = array<i32>} : memref<128x256xf32, #tpu.memory_space<vmem>>, vector<1x16xf32>,
        %get3A_229 = vector.shape_cast %get3A_228 : vector<1x16xf32> to vector<16xf32>
        %swap3A_230 = arith.index_cast %scan3A_119 : i32 to index
        %swap3A_231 = arith.constant 192 : index
        %swap3A_232 = tpu.vector_load %arg8[%swap3A_230, %swap3A_231] {strides = array<i32>} : memref<128x256xf32, #tpu.memory_space<vmem>>, vector<1x16xf32>,
        %swap3A_233 = vector.shape_cast %swap3A_232 : vector<1x16xf32> to vector<16xf32>
        %swap3A_234 = vector.shape_cast %get3A_229 : vector<16xf32> to vector<1x16xf32>
        tpu.vector_store %arg8[%swap3A_230, %swap3A_231], %swap3A_234 {add = true, strides = array<i32>} : memref<128x256xf32, #tpu.memory_space<vmem>>, vector<1x16xf32>,
        %get3A_235 = arith.index_cast %scan3A_119 : i32 to index
        %get3A_236 = arith.constant 208 : index
        %get3A_237 = tpu.vector_load %arg6[%get3A_235, %get3A_236] {strides = array<i32>} : memref<128x256xf32, #tpu.memory_space<vmem>>, vector<1x16xf32>,
        %get3A_238 = vector.shape_cast %get3A_237 : vector<1x16xf32> to vector<16xf32>
        %swap3A_239 = arith.index_cast %scan3A_119 : i32 to index
        %swap3A_240 = arith.constant 208 : index
        %swap3A_241 = tpu.vector_load %arg8[%swap3A_239, %swap3A_240] {strides = array<i32>} : memref<128x256xf32, #tpu.memory_space<vmem>>, vector<1x16xf32>,
        %swap3A_242 = vector.shape_cast %swap3A_241 : vector<1x16xf32> to vector<16xf32>
        %swap3A_243 = vector.shape_cast %get3A_238 : vector<16xf32> to vector<1x16xf32>
        tpu.vector_store %arg8[%swap3A_239, %swap3A_240], %swap3A_243 {add = true, strides = array<i32>} : memref<128x256xf32, #tpu.memory_space<vmem>>, vector<1x16xf32>,
        %get3A_244 = arith.index_cast %scan3A_119 : i32 to index
        %get3A_245 = arith.constant 224 : index
        %get3A_246 = tpu.vector_load %arg6[%get3A_244, %get3A_245] {strides = array<i32>} : memref<128x256xf32, #tpu.memory_space<vmem>>, vector<1x16xf32>,
        %get3A_247 = vector.shape_cast %get3A_246 : vector<1x16xf32> to vector<16xf32>
        %swap3A_248 = arith.index_cast %scan3A_119 : i32 to index
        %swap3A_249 = arith.constant 224 : index
        %swap3A_250 = tpu.vector_load %arg8[%swap3A_248, %swap3A_249] {strides = array<i32>} : memref<128x256xf32, #tpu.memory_space<vmem>>, vector<1x16xf32>,
        %swap3A_251 = vector.shape_cast %swap3A_250 : vector<1x16xf32> to vector<16xf32>
        %swap3A_252 = vector.shape_cast %get3A_247 : vector<16xf32> to vector<1x16xf32>
        tpu.vector_store %arg8[%swap3A_248, %swap3A_249], %swap3A_252 {add = true, strides = array<i32>} : memref<128x256xf32, #tpu.memory_space<vmem>>, vector<1x16xf32>,
        %get3A_253 = arith.index_cast %scan3A_119 : i32 to index
        %get3A_254 = arith.constant 240 : index
        %get3A_255 = tpu.vector_load %arg6[%get3A_253, %get3A_254] {strides = array<i32>} : memref<128x256xf32, #tpu.memory_space<vmem>>, vector<1x16xf32>,
        %get3A_256 = vector.shape_cast %get3A_255 : vector<1x16xf32> to vector<16xf32>
        %swap3A_257 = arith.index_cast %scan3A_119 : i32 to index
        %swap3A_258 = arith.constant 240 : index
        %swap3A_259 = tpu.vector_load %arg8[%swap3A_257, %swap3A_258] {strides = array<i32>} : memref<128x256xf32, #tpu.memory_space<vmem>>, vector<1x16xf32>,
        %swap3A_260 = vector.shape_cast %swap3A_259 : vector<1x16xf32> to vector<16xf32>
        %swap3A_261 = vector.shape_cast %get3A_256 : vector<16xf32> to vector<1x16xf32>
        tpu.vector_store %arg8[%swap3A_257, %swap3A_258], %swap3A_261 {add = true, strides = array<i32>} : memref<128x256xf32, #tpu.memory_space<vmem>>, vector<1x16xf32>,
      }
      %scan3A_81 = arith.constant 128 : i32
      %add3A_82 = arith.constant 2 : i32
      %add3A_83 = arith.addi %add3A_58, %add3A_82 : i32
      %lt3A = arith.constant 50 : i32
      %lt3A_84 = arith.cmpi slt, %add3A_83, %lt3A : i32
      %convert_element_type3A = arith.extui %lt3A_84 : i1 to i32
      %cond3A = arith.constant 0 : i32
      %cond3A_85 = arith.cmpi ne, %convert_element_type3A, %cond3A : i32
      scf.if %cond3A_85 {
        %dma_start3A_119 = arith.constant 0 : i32
        %dma_start3A_120 = arith.constant 0 : i32
        %dma_start3A_121 = tpu.memref_slice %arg6[%dma_start3A_119, %dma_start3A_120] : memref<128x256xf32, #tpu.memory_space<vmem>> -> memref<128x128xf32, #tpu.memory_space<vmem>>
        %dma_start3A_122 = arith.constant 0 : i32
        %dma_start3A_123 = tpu.memref_slice %arg5[%add3A_83, %dma_start3A_122] : memref<50x128xi32, #tpu.memory_space<vmem>> -> memref<1x128xi32, #tpu.memory_space<vmem>>
        %dma_start3A_124 = tpu.memref_squeeze %dma_start3A_123 : memref<1x128xi32, #tpu.memory_space<vmem>> -> memref<128xi32, #tpu.memory_space<vmem>>
        %dma_start3A_125 = arith.constant 0 : i32
        %dma_start3A_126 = arith.constant 0 : i32
        %dma_start3A_127 = tpu.memref_slice %arg3[%dma_start3A_125, %dma_start3A_126] : memref<100000x300xf32, #tpu.memory_space<hbm>> -> memref<100000x128xf32, #tpu.memory_space<hbm>>
        tpu.enqueue_indirect_dma source(%dma_start3A_127 : memref<100000x128xf32, #tpu.memory_space<hbm>>) target(%dma_start3A_121 : memref<128x128xf32, #tpu.memory_space<vmem>>) offsets(%dma_start3A_124 : memref<128xi32, #tpu.memory_space<vmem>>) semaphore(%arg9 : memref<!tpu.dma_semaphore, #tpu.memory_space<semaphore_mem>>)
        %dma_start3A_128 = arith.constant 0 : i32
        %dma_start3A_129 = arith.constant 128 : i32
        %dma_start3A_130 = tpu.memref_slice %arg6[%dma_start3A_128, %dma_start3A_129] : memref<128x256xf32, #tpu.memory_space<vmem>> -> memref<128x128xf32, #tpu.memory_space<vmem>>
        %dma_start3A_131 = arith.constant 0 : i32
        %dma_start3A_132 = tpu.memref_slice %arg5[%add3A_83, %dma_start3A_131] : memref<50x128xi32, #tpu.memory_space<vmem>> -> memref<1x128xi32, #tpu.memory_space<vmem>>
        %dma_start3A_133 = tpu.memref_squeeze %dma_start3A_132 : memref<1x128xi32, #tpu.memory_space<vmem>> -> memref<128xi32, #tpu.memory_space<vmem>>
        %dma_start3A_134 = arith.constant 0 : i32
        %dma_start3A_135 = arith.constant 128 : i32
        %dma_start3A_136 = tpu.memref_slice %arg3[%dma_start3A_134, %dma_start3A_135] : memref<100000x300xf32, #tpu.memory_space<hbm>> -> memref<100000x128xf32, #tpu.memory_space<hbm>>
        tpu.enqueue_indirect_dma source(%dma_start3A_136 : memref<100000x128xf32, #tpu.memory_space<hbm>>) target(%dma_start3A_130 : memref<128x128xf32, #tpu.memory_space<vmem>>) offsets(%dma_start3A_133 : memref<128xi32, #tpu.memory_space<vmem>>) semaphore(%arg9 : memref<!tpu.dma_semaphore, #tpu.memory_space<semaphore_mem>>)
      } else {
      }
      %add3A_86 = arith.constant 1 : i32
      %add3A_87 = arith.addi %mul3A_56, %add3A_86 : i32
      %dma_wait3A_88 = arith.constant 0 : i32
      %dma_wait3A_89 = arith.constant 0 : i32
      %dma_wait3A_90 = tpu.memref_slice %arg7[%dma_wait3A_88, %dma_wait3A_89] : memref<128x256xf32, #tpu.memory_space<vmem>> -> memref<128x128xf32, #tpu.memory_space<vmem>>
      %dma_wait3A_91 = arith.constant 0 : i32
      %dma_wait3A_92 = tpu.memref_slice %arg5[%add3A_87, %dma_wait3A_91] : memref<50x128xi32, #tpu.memory_space<vmem>> -> memref<1x128xi32, #tpu.memory_space<vmem>>
      %dma_wait3A_93 = tpu.memref_squeeze %dma_wait3A_92 : memref<1x128xi32, #tpu.memory_space<vmem>> -> memref<128xi32, #tpu.memory_space<vmem>>
      %dma_wait3A_94 = arith.constant 0 : i32
      %dma_wait3A_95 = arith.constant 0 : i32
      %dma_wait3A_96 = tpu.memref_slice %arg3[%dma_wait3A_94, %dma_wait3A_95] : memref<100000x300xf32, #tpu.memory_space<hbm>> -> memref<100000x128xf32, #tpu.memory_space<hbm>>
      tpu.wait_indirect_dma semaphore(%arg10 : memref<!tpu.dma_semaphore, #tpu.memory_space<semaphore_mem>>) src(%dma_wait3A_96 : memref<100000x128xf32, #tpu.memory_space<hbm>>) dst(%dma_wait3A_90 : memref<128x128xf32, #tpu.memory_space<vmem>>)
      %dma_wait3A_97 = arith.constant 0 : i32
      %dma_wait3A_98 = arith.constant 128 : i32
      %dma_wait3A_99 = tpu.memref_slice %arg7[%dma_wait3A_97, %dma_wait3A_98] : memref<128x256xf32, #tpu.memory_space<vmem>> -> memref<128x128xf32, #tpu.memory_space<vmem>>
      %dma_wait3A_100 = arith.constant 0 : i32
      %dma_wait3A_101 = tpu.memref_slice %arg5[%add3A_87, %dma_wait3A_100] : memref<50x128xi32, #tpu.memory_space<vmem>> -> memref<1x128xi32, #tpu.memory_space<vmem>>
      %dma_wait3A_102 = tpu.memref_squeeze %dma_wait3A_101 : memref<1x128xi32, #tpu.memory_space<vmem>> -> memref<128xi32, #tpu.memory_space<vmem>>
      %dma_wait3A_103 = arith.constant 0 : i32
      %dma_wait3A_104 = arith.constant 128 : i32
      %dma_wait3A_105 = tpu.memref_slice %arg3[%dma_wait3A_103, %dma_wait3A_104] : memref<100000x300xf32, #tpu.memory_space<hbm>> -> memref<100000x128xf32, #tpu.memory_space<hbm>>
      tpu.wait_indirect_dma semaphore(%arg10 : memref<!tpu.dma_semaphore, #tpu.memory_space<semaphore_mem>>) src(%dma_wait3A_105 : memref<100000x128xf32, #tpu.memory_space<hbm>>) dst(%dma_wait3A_99 : memref<128x128xf32, #tpu.memory_space<vmem>>)
      %scan3A_106 = arith.constant 0 : i32
      %scan3A_107 = arith.constant 0 : i32
      %scan3A_108 = arith.constant 128 : i32
      %scan3A_109 = arith.addi %scan3A_107, %scan3A_108 : i32
      %scan3A_110 = arith.constant 1 : i32
      scf.for %scan3A_119 = %scan3A_107 to %scan3A_109 step %scan3A_110  : i32 {
        %get3A = arith.index_cast %scan3A_119 : i32 to index
        %get3A_120 = arith.constant 0 : index
        %get3A_121 = tpu.vector_load %arg7[%get3A, %get3A_120] {strides = array<i32>} : memref<128x256xf32, #tpu.memory_space<vmem>>, vector<1x16xf32>,
        %get3A_122 = vector.shape_cast %get3A_121 : vector<1x16xf32> to vector<16xf32>
        %swap3A = arith.index_cast %scan3A_119 : i32 to index
        %swap3A_123 = arith.constant 0 : index
        %swap3A_124 = tpu.vector_load %arg8[%swap3A, %swap3A_123] {strides = array<i32>} : memref<128x256xf32, #tpu.memory_space<vmem>>, vector<1x16xf32>,
        %swap3A_125 = vector.shape_cast %swap3A_124 : vector<1x16xf32> to vector<16xf32>
        %swap3A_126 = vector.shape_cast %get3A_122 : vector<16xf32> to vector<1x16xf32>
        tpu.vector_store %arg8[%swap3A, %swap3A_123], %swap3A_126 {add = true, strides = array<i32>} : memref<128x256xf32, #tpu.memory_space<vmem>>, vector<1x16xf32>,
        %get3A_127 = arith.index_cast %scan3A_119 : i32 to index
        %get3A_128 = arith.constant 16 : index
        %get3A_129 = tpu.vector_load %arg7[%get3A_127, %get3A_128] {strides = array<i32>} : memref<128x256xf32, #tpu.memory_space<vmem>>, vector<1x16xf32>,
        %get3A_130 = vector.shape_cast %get3A_129 : vector<1x16xf32> to vector<16xf32>
        %swap3A_131 = arith.index_cast %scan3A_119 : i32 to index
        %swap3A_132 = arith.constant 16 : index
        %swap3A_133 = tpu.vector_load %arg8[%swap3A_131, %swap3A_132] {strides = array<i32>} : memref<128x256xf32, #tpu.memory_space<vmem>>, vector<1x16xf32>,
        %swap3A_134 = vector.shape_cast %swap3A_133 : vector<1x16xf32> to vector<16xf32>
        %swap3A_135 = vector.shape_cast %get3A_130 : vector<16xf32> to vector<1x16xf32>
        tpu.vector_store %arg8[%swap3A_131, %swap3A_132], %swap3A_135 {add = true, strides = array<i32>} : memref<128x256xf32, #tpu.memory_space<vmem>>, vector<1x16xf32>,
        %get3A_136 = arith.index_cast %scan3A_119 : i32 to index
        %get3A_137 = arith.constant 32 : index
        %get3A_138 = tpu.vector_load %arg7[%get3A_136, %get3A_137] {strides = array<i32>} : memref<128x256xf32, #tpu.memory_space<vmem>>, vector<1x16xf32>,
        %get3A_139 = vector.shape_cast %get3A_138 : vector<1x16xf32> to vector<16xf32>
        %swap3A_140 = arith.index_cast %scan3A_119 : i32 to index
        %swap3A_141 = arith.constant 32 : index
        %swap3A_142 = tpu.vector_load %arg8[%swap3A_140, %swap3A_141] {strides = array<i32>} : memref<128x256xf32, #tpu.memory_space<vmem>>, vector<1x16xf32>,
        %swap3A_143 = vector.shape_cast %swap3A_142 : vector<1x16xf32> to vector<16xf32>
        %swap3A_144 = vector.shape_cast %get3A_139 : vector<16xf32> to vector<1x16xf32>
        tpu.vector_store %arg8[%swap3A_140, %swap3A_141], %swap3A_144 {add = true, strides = array<i32>} : memref<128x256xf32, #tpu.memory_space<vmem>>, vector<1x16xf32>,
        %get3A_145 = arith.index_cast %scan3A_119 : i32 to index
        %get3A_146 = arith.constant 48 : index
        %get3A_147 = tpu.vector_load %arg7[%get3A_145, %get3A_146] {strides = array<i32>} : memref<128x256xf32, #tpu.memory_space<vmem>>, vector<1x16xf32>,
        %get3A_148 = vector.shape_cast %get3A_147 : vector<1x16xf32> to vector<16xf32>
        %swap3A_149 = arith.index_cast %scan3A_119 : i32 to index
        %swap3A_150 = arith.constant 48 : index
        %swap3A_151 = tpu.vector_load %arg8[%swap3A_149, %swap3A_150] {strides = array<i32>} : memref<128x256xf32, #tpu.memory_space<vmem>>, vector<1x16xf32>,
        %swap3A_152 = vector.shape_cast %swap3A_151 : vector<1x16xf32> to vector<16xf32>
        %swap3A_153 = vector.shape_cast %get3A_148 : vector<16xf32> to vector<1x16xf32>
        tpu.vector_store %arg8[%swap3A_149, %swap3A_150], %swap3A_153 {add = true, strides = array<i32>} : memref<128x256xf32, #tpu.memory_space<vmem>>, vector<1x16xf32>,
        %get3A_154 = arith.index_cast %scan3A_119 : i32 to index
        %get3A_155 = arith.constant 64 : index
        %get3A_156 = tpu.vector_load %arg7[%get3A_154, %get3A_155] {strides = array<i32>} : memref<128x256xf32, #tpu.memory_space<vmem>>, vector<1x16xf32>,
        %get3A_157 = vector.shape_cast %get3A_156 : vector<1x16xf32> to vector<16xf32>
        %swap3A_158 = arith.index_cast %scan3A_119 : i32 to index
        %swap3A_159 = arith.constant 64 : index
        %swap3A_160 = tpu.vector_load %arg8[%swap3A_158, %swap3A_159] {strides = array<i32>} : memref<128x256xf32, #tpu.memory_space<vmem>>, vector<1x16xf32>,
        %swap3A_161 = vector.shape_cast %swap3A_160 : vector<1x16xf32> to vector<16xf32>
        %swap3A_162 = vector.shape_cast %get3A_157 : vector<16xf32> to vector<1x16xf32>
        tpu.vector_store %arg8[%swap3A_158, %swap3A_159], %swap3A_162 {add = true, strides = array<i32>} : memref<128x256xf32, #tpu.memory_space<vmem>>, vector<1x16xf32>,
        %get3A_163 = arith.index_cast %scan3A_119 : i32 to index
        %get3A_164 = arith.constant 80 : index
        %get3A_165 = tpu.vector_load %arg7[%get3A_163, %get3A_164] {strides = array<i32>} : memref<128x256xf32, #tpu.memory_space<vmem>>, vector<1x16xf32>,
        %get3A_166 = vector.shape_cast %get3A_165 : vector<1x16xf32> to vector<16xf32>
        %swap3A_167 = arith.index_cast %scan3A_119 : i32 to index
        %swap3A_168 = arith.constant 80 : index
        %swap3A_169 = tpu.vector_load %arg8[%swap3A_167, %swap3A_168] {strides = array<i32>} : memref<128x256xf32, #tpu.memory_space<vmem>>, vector<1x16xf32>,
        %swap3A_170 = vector.shape_cast %swap3A_169 : vector<1x16xf32> to vector<16xf32>
        %swap3A_171 = vector.shape_cast %get3A_166 : vector<16xf32> to vector<1x16xf32>
        tpu.vector_store %arg8[%swap3A_167, %swap3A_168], %swap3A_171 {add = true, strides = array<i32>} : memref<128x256xf32, #tpu.memory_space<vmem>>, vector<1x16xf32>,
        %get3A_172 = arith.index_cast %scan3A_119 : i32 to index
        %get3A_173 = arith.constant 96 : index
        %get3A_174 = tpu.vector_load %arg7[%get3A_172, %get3A_173] {strides = array<i32>} : memref<128x256xf32, #tpu.memory_space<vmem>>, vector<1x16xf32>,
        %get3A_175 = vector.shape_cast %get3A_174 : vector<1x16xf32> to vector<16xf32>
        %swap3A_176 = arith.index_cast %scan3A_119 : i32 to index
        %swap3A_177 = arith.constant 96 : index
        %swap3A_178 = tpu.vector_load %arg8[%swap3A_176, %swap3A_177] {strides = array<i32>} : memref<128x256xf32, #tpu.memory_space<vmem>>, vector<1x16xf32>,
        %swap3A_179 = vector.shape_cast %swap3A_178 : vector<1x16xf32> to vector<16xf32>
        %swap3A_180 = vector.shape_cast %get3A_175 : vector<16xf32> to vector<1x16xf32>
        tpu.vector_store %arg8[%swap3A_176, %swap3A_177], %swap3A_180 {add = true, strides = array<i32>} : memref<128x256xf32, #tpu.memory_space<vmem>>, vector<1x16xf32>,
        %get3A_181 = arith.index_cast %scan3A_119 : i32 to index
        %get3A_182 = arith.constant 112 : index
        %get3A_183 = tpu.vector_load %arg7[%get3A_181, %get3A_182] {strides = array<i32>} : memref<128x256xf32, #tpu.memory_space<vmem>>, vector<1x16xf32>,
        %get3A_184 = vector.shape_cast %get3A_183 : vector<1x16xf32> to vector<16xf32>
        %swap3A_185 = arith.index_cast %scan3A_119 : i32 to index
        %swap3A_186 = arith.constant 112 : index
        %swap3A_187 = tpu.vector_load %arg8[%swap3A_185, %swap3A_186] {strides = array<i32>} : memref<128x256xf32, #tpu.memory_space<vmem>>, vector<1x16xf32>,
        %swap3A_188 = vector.shape_cast %swap3A_187 : vector<1x16xf32> to vector<16xf32>
        %swap3A_189 = vector.shape_cast %get3A_184 : vector<16xf32> to vector<1x16xf32>
        tpu.vector_store %arg8[%swap3A_185, %swap3A_186], %swap3A_189 {add = true, strides = array<i32>} : memref<128x256xf32, #tpu.memory_space<vmem>>, vector<1x16xf32>,
        %get3A_190 = arith.index_cast %scan3A_119 : i32 to index
        %get3A_191 = arith.constant 128 : index
        %get3A_192 = tpu.vector_load %arg7[%get3A_190, %get3A_191] {strides = array<i32>} : memref<128x256xf32, #tpu.memory_space<vmem>>, vector<1x16xf32>,
        %get3A_193 = vector.shape_cast %get3A_192 : vector<1x16xf32> to vector<16xf32>
        %swap3A_194 = arith.index_cast %scan3A_119 : i32 to index
        %swap3A_195 = arith.constant 128 : index
        %swap3A_196 = tpu.vector_load %arg8[%swap3A_194, %swap3A_195] {strides = array<i32>} : memref<128x256xf32, #tpu.memory_space<vmem>>, vector<1x16xf32>,
        %swap3A_197 = vector.shape_cast %swap3A_196 : vector<1x16xf32> to vector<16xf32>
        %swap3A_198 = vector.shape_cast %get3A_193 : vector<16xf32> to vector<1x16xf32>
        tpu.vector_store %arg8[%swap3A_194, %swap3A_195], %swap3A_198 {add = true, strides = array<i32>} : memref<128x256xf32, #tpu.memory_space<vmem>>, vector<1x16xf32>,
        %get3A_199 = arith.index_cast %scan3A_119 : i32 to index
        %get3A_200 = arith.constant 144 : index
        %get3A_201 = tpu.vector_load %arg7[%get3A_199, %get3A_200] {strides = array<i32>} : memref<128x256xf32, #tpu.memory_space<vmem>>, vector<1x16xf32>,
        %get3A_202 = vector.shape_cast %get3A_201 : vector<1x16xf32> to vector<16xf32>
        %swap3A_203 = arith.index_cast %scan3A_119 : i32 to index
        %swap3A_204 = arith.constant 144 : index
        %swap3A_205 = tpu.vector_load %arg8[%swap3A_203, %swap3A_204] {strides = array<i32>} : memref<128x256xf32, #tpu.memory_space<vmem>>, vector<1x16xf32>,
        %swap3A_206 = vector.shape_cast %swap3A_205 : vector<1x16xf32> to vector<16xf32>
        %swap3A_207 = vector.shape_cast %get3A_202 : vector<16xf32> to vector<1x16xf32>
        tpu.vector_store %arg8[%swap3A_203, %swap3A_204], %swap3A_207 {add = true, strides = array<i32>} : memref<128x256xf32, #tpu.memory_space<vmem>>, vector<1x16xf32>,
        %get3A_208 = arith.index_cast %scan3A_119 : i32 to index
        %get3A_209 = arith.constant 160 : index
        %get3A_210 = tpu.vector_load %arg7[%get3A_208, %get3A_209] {strides = array<i32>} : memref<128x256xf32, #tpu.memory_space<vmem>>, vector<1x16xf32>,
        %get3A_211 = vector.shape_cast %get3A_210 : vector<1x16xf32> to vector<16xf32>
        %swap3A_212 = arith.index_cast %scan3A_119 : i32 to index
        %swap3A_213 = arith.constant 160 : index
        %swap3A_214 = tpu.vector_load %arg8[%swap3A_212, %swap3A_213] {strides = array<i32>} : memref<128x256xf32, #tpu.memory_space<vmem>>, vector<1x16xf32>,
        %swap3A_215 = vector.shape_cast %swap3A_214 : vector<1x16xf32> to vector<16xf32>
        %swap3A_216 = vector.shape_cast %get3A_211 : vector<16xf32> to vector<1x16xf32>
        tpu.vector_store %arg8[%swap3A_212, %swap3A_213], %swap3A_216 {add = true, strides = array<i32>} : memref<128x256xf32, #tpu.memory_space<vmem>>, vector<1x16xf32>,
        %get3A_217 = arith.index_cast %scan3A_119 : i32 to index
        %get3A_218 = arith.constant 176 : index
        %get3A_219 = tpu.vector_load %arg7[%get3A_217, %get3A_218] {strides = array<i32>} : memref<128x256xf32, #tpu.memory_space<vmem>>, vector<1x16xf32>,
        %get3A_220 = vector.shape_cast %get3A_219 : vector<1x16xf32> to vector<16xf32>
        %swap3A_221 = arith.index_cast %scan3A_119 : i32 to index
        %swap3A_222 = arith.constant 176 : index
        %swap3A_223 = tpu.vector_load %arg8[%swap3A_221, %swap3A_222] {strides = array<i32>} : memref<128x256xf32, #tpu.memory_space<vmem>>, vector<1x16xf32>,
        %swap3A_224 = vector.shape_cast %swap3A_223 : vector<1x16xf32> to vector<16xf32>
        %swap3A_225 = vector.shape_cast %get3A_220 : vector<16xf32> to vector<1x16xf32>
        tpu.vector_store %arg8[%swap3A_221, %swap3A_222], %swap3A_225 {add = true, strides = array<i32>} : memref<128x256xf32, #tpu.memory_space<vmem>>, vector<1x16xf32>,
        %get3A_226 = arith.index_cast %scan3A_119 : i32 to index
        %get3A_227 = arith.constant 192 : index
        %get3A_228 = tpu.vector_load %arg7[%get3A_226, %get3A_227] {strides = array<i32>} : memref<128x256xf32, #tpu.memory_space<vmem>>, vector<1x16xf32>,
        %get3A_229 = vector.shape_cast %get3A_228 : vector<1x16xf32> to vector<16xf32>
        %swap3A_230 = arith.index_cast %scan3A_119 : i32 to index
        %swap3A_231 = arith.constant 192 : index
        %swap3A_232 = tpu.vector_load %arg8[%swap3A_230, %swap3A_231] {strides = array<i32>} : memref<128x256xf32, #tpu.memory_space<vmem>>, vector<1x16xf32>,
        %swap3A_233 = vector.shape_cast %swap3A_232 : vector<1x16xf32> to vector<16xf32>
        %swap3A_234 = vector.shape_cast %get3A_229 : vector<16xf32> to vector<1x16xf32>
        tpu.vector_store %arg8[%swap3A_230, %swap3A_231], %swap3A_234 {add = true, strides = array<i32>} : memref<128x256xf32, #tpu.memory_space<vmem>>, vector<1x16xf32>,
        %get3A_235 = arith.index_cast %scan3A_119 : i32 to index
        %get3A_236 = arith.constant 208 : index
        %get3A_237 = tpu.vector_load %arg7[%get3A_235, %get3A_236] {strides = array<i32>} : memref<128x256xf32, #tpu.memory_space<vmem>>, vector<1x16xf32>,
        %get3A_238 = vector.shape_cast %get3A_237 : vector<1x16xf32> to vector<16xf32>
        %swap3A_239 = arith.index_cast %scan3A_119 : i32 to index
        %swap3A_240 = arith.constant 208 : index
        %swap3A_241 = tpu.vector_load %arg8[%swap3A_239, %swap3A_240] {strides = array<i32>} : memref<128x256xf32, #tpu.memory_space<vmem>>, vector<1x16xf32>,
        %swap3A_242 = vector.shape_cast %swap3A_241 : vector<1x16xf32> to vector<16xf32>
        %swap3A_243 = vector.shape_cast %get3A_238 : vector<16xf32> to vector<1x16xf32>
        tpu.vector_store %arg8[%swap3A_239, %swap3A_240], %swap3A_243 {add = true, strides = array<i32>} : memref<128x256xf32, #tpu.memory_space<vmem>>, vector<1x16xf32>,
        %get3A_244 = arith.index_cast %scan3A_119 : i32 to index
        %get3A_245 = arith.constant 224 : index
        %get3A_246 = tpu.vector_load %arg7[%get3A_244, %get3A_245] {strides = array<i32>} : memref<128x256xf32, #tpu.memory_space<vmem>>, vector<1x16xf32>,
        %get3A_247 = vector.shape_cast %get3A_246 : vector<1x16xf32> to vector<16xf32>
        %swap3A_248 = arith.index_cast %scan3A_119 : i32 to index
        %swap3A_249 = arith.constant 224 : index
        %swap3A_250 = tpu.vector_load %arg8[%swap3A_248, %swap3A_249] {strides = array<i32>} : memref<128x256xf32, #tpu.memory_space<vmem>>, vector<1x16xf32>,
        %swap3A_251 = vector.shape_cast %swap3A_250 : vector<1x16xf32> to vector<16xf32>
        %swap3A_252 = vector.shape_cast %get3A_247 : vector<16xf32> to vector<1x16xf32>
        tpu.vector_store %arg8[%swap3A_248, %swap3A_249], %swap3A_252 {add = true, strides = array<i32>} : memref<128x256xf32, #tpu.memory_space<vmem>>, vector<1x16xf32>,
        %get3A_253 = arith.index_cast %scan3A_119 : i32 to index
        %get3A_254 = arith.constant 240 : index
        %get3A_255 = tpu.vector_load %arg7[%get3A_253, %get3A_254] {strides = array<i32>} : memref<128x256xf32, #tpu.memory_space<vmem>>, vector<1x16xf32>,
        %get3A_256 = vector.shape_cast %get3A_255 : vector<1x16xf32> to vector<16xf32>
        %swap3A_257 = arith.index_cast %scan3A_119 : i32 to index
        %swap3A_258 = arith.constant 240 : index
        %swap3A_259 = tpu.vector_load %arg8[%swap3A_257, %swap3A_258] {strides = array<i32>} : memref<128x256xf32, #tpu.memory_space<vmem>>, vector<1x16xf32>,
        %swap3A_260 = vector.shape_cast %swap3A_259 : vector<1x16xf32> to vector<16xf32>
        %swap3A_261 = vector.shape_cast %get3A_256 : vector<16xf32> to vector<1x16xf32>
        tpu.vector_store %arg8[%swap3A_257, %swap3A_258], %swap3A_261 {add = true, strides = array<i32>} : memref<128x256xf32, #tpu.memory_space<vmem>>, vector<1x16xf32>,
      }
      %scan3A_111 = arith.constant 128 : i32
      %add3A_112 = arith.constant 2 : i32
      %add3A_113 = arith.addi %add3A_87, %add3A_112 : i32
      %lt3A_114 = arith.constant 50 : i32
      %lt3A_115 = arith.cmpi slt, %add3A_113, %lt3A_114 : i32
      %convert_element_type3A_116 = arith.extui %lt3A_115 : i1 to i32
      %cond3A_117 = arith.constant 0 : i32
      %cond3A_118 = arith.cmpi ne, %convert_element_type3A_116, %cond3A_117 : i32
      scf.if %cond3A_118 {
        %dma_start3A_119 = arith.constant 0 : i32
        %dma_start3A_120 = arith.constant 0 : i32
        %dma_start3A_121 = tpu.memref_slice %arg7[%dma_start3A_119, %dma_start3A_120] : memref<128x256xf32, #tpu.memory_space<vmem>> -> memref<128x128xf32, #tpu.memory_space<vmem>>
        %dma_start3A_122 = arith.constant 0 : i32
        %dma_start3A_123 = tpu.memref_slice %arg5[%add3A_113, %dma_start3A_122] : memref<50x128xi32, #tpu.memory_space<vmem>> -> memref<1x128xi32, #tpu.memory_space<vmem>>
        %dma_start3A_124 = tpu.memref_squeeze %dma_start3A_123 : memref<1x128xi32, #tpu.memory_space<vmem>> -> memref<128xi32, #tpu.memory_space<vmem>>
        %dma_start3A_125 = arith.constant 0 : i32
        %dma_start3A_126 = arith.constant 0 : i32
        %dma_start3A_127 = tpu.memref_slice %arg3[%dma_start3A_125, %dma_start3A_126] : memref<100000x300xf32, #tpu.memory_space<hbm>> -> memref<100000x128xf32, #tpu.memory_space<hbm>>
        tpu.enqueue_indirect_dma source(%dma_start3A_127 : memref<100000x128xf32, #tpu.memory_space<hbm>>) target(%dma_start3A_121 : memref<128x128xf32, #tpu.memory_space<vmem>>) offsets(%dma_start3A_124 : memref<128xi32, #tpu.memory_space<vmem>>) semaphore(%arg10 : memref<!tpu.dma_semaphore, #tpu.memory_space<semaphore_mem>>)
        %dma_start3A_128 = arith.constant 0 : i32
        %dma_start3A_129 = arith.constant 128 : i32
        %dma_start3A_130 = tpu.memref_slice %arg7[%dma_start3A_128, %dma_start3A_129] : memref<128x256xf32, #tpu.memory_space<vmem>> -> memref<128x128xf32, #tpu.memory_space<vmem>>
        %dma_start3A_131 = arith.constant 0 : i32
        %dma_start3A_132 = tpu.memref_slice %arg5[%add3A_113, %dma_start3A_131] : memref<50x128xi32, #tpu.memory_space<vmem>> -> memref<1x128xi32, #tpu.memory_space<vmem>>
        %dma_start3A_133 = tpu.memref_squeeze %dma_start3A_132 : memref<1x128xi32, #tpu.memory_space<vmem>> -> memref<128xi32, #tpu.memory_space<vmem>>
        %dma_start3A_134 = arith.constant 0 : i32
        %dma_start3A_135 = arith.constant 128 : i32
        %dma_start3A_136 = tpu.memref_slice %arg3[%dma_start3A_134, %dma_start3A_135] : memref<100000x300xf32, #tpu.memory_space<hbm>> -> memref<100000x128xf32, #tpu.memory_space<hbm>>
        tpu.enqueue_indirect_dma source(%dma_start3A_136 : memref<100000x128xf32, #tpu.memory_space<hbm>>) target(%dma_start3A_130 : memref<128x128xf32, #tpu.memory_space<vmem>>) offsets(%dma_start3A_133 : memref<128xi32, #tpu.memory_space<vmem>>) semaphore(%arg10 : memref<!tpu.dma_semaphore, #tpu.memory_space<semaphore_mem>>)
      } else {
      }
    }
    %scan3A_53 = arith.constant 25 : i32
    "tpu.region"() ({
      %run_scoped3A = tpu.sem_alloc : memref<!tpu.dma_semaphore, #tpu.memory_space<semaphore_mem>>
      %dma_start3A_54 = arith.constant 0 : i32
      %dma_start3A_55 = tpu.memref_slice %arg4[%mul3A_2, %dma_start3A_54] : memref<4096x256xf32, #tpu.memory_space<hbm>> -> memref<128x256xf32, #tpu.memory_space<hbm>>
      %dma_start3A_56 = arith.constant 0 : i32
      %dma_start3A_57 = tpu.memref_slice %arg4[%mul3A_2, %dma_start3A_56] : memref<4096x256xf32, #tpu.memory_space<hbm>> -> memref<128x256xf32, #tpu.memory_space<hbm>>
      tpu.enqueue_dma source(%arg8 : memref<128x256xf32, #tpu.memory_space<vmem>>) target(%dma_start3A_57 : memref<128x256xf32, #tpu.memory_space<hbm>>) target_semaphore(%run_scoped3A : memref<!tpu.dma_semaphore, #tpu.memory_space<semaphore_mem>>)
      %dma_wait3A = arith.constant 0 : i32
      %dma_wait3A_58 = tpu.memref_slice %arg4[%mul3A_2, %dma_wait3A] : memref<4096x256xf32, #tpu.memory_space<hbm>> -> memref<128x256xf32, #tpu.memory_space<hbm>>
      %dma_wait3A_59 = arith.constant 0 : i32
      %dma_wait3A_60 = tpu.memref_slice %arg4[%mul3A_2, %dma_wait3A_59] : memref<4096x256xf32, #tpu.memory_space<hbm>> -> memref<128x256xf32, #tpu.memory_space<hbm>>
      tpu.wait_dma2 semaphore(%run_scoped3A : memref<!tpu.dma_semaphore, #tpu.memory_space<semaphore_mem>>) src(%arg8 : memref<128x256xf32, #tpu.memory_space<vmem>>) dst(%dma_wait3A_60 : memref<128x256xf32, #tpu.memory_space<hbm>>)
      tpu.yield
    }) : () -> ()
    return
  }
}

#map = affine_map<(d0, d1) -> (0, 0)>
module attributes {stable_mosaic.version = 14 : i64} {
  func.func @_pool_b_body(%arg0: i32, %arg1: i32, %arg2: memref<50x4096xi32, #tpu.memory_space<hbm>>, %arg3: memref<100000x128xf32, #tpu.memory_space<hbm>>, %arg4: memref<4096x48xf32, #tpu.memory_space<hbm>>, %arg5: memref<50x128xi32, #tpu.memory_space<vmem>>, %arg6: memref<128x128xf32, #tpu.memory_space<vmem>>, %arg7: memref<128x128xf32, #tpu.memory_space<vmem>>, %arg8: memref<128x48xf32, #tpu.memory_space<vmem>>, %arg9: memref<!tpu.dma_semaphore, #tpu.memory_space<semaphore_mem>>, %arg10: memref<!tpu.dma_semaphore, #tpu.memory_space<semaphore_mem>>) attributes {dimension_semantics = [#tpu.dimension_semantics<core_parallel>, #tpu.dimension_semantics<subcore_parallel>], iteration_bounds = array<i64: 2, 16>, scalar_prefetch = 0 : i64, scratch_operands = 6 : i64, tpu.core_type = #tpu.core_type<sc_vector_subcore>, window_params = [{transform_indices = #map}, {transform_indices = #map}, {transform_indices = #map}]} {
    %mul3A = arith.constant 2 : i32
    %mul3A_0 = arith.muli %arg1, %mul3A : i32
    %add3A = arith.addi %mul3A_0, %arg0 : i32
    %mul3A_1 = arith.constant 128 : i32
    %mul3A_2 = arith.muli %add3A, %mul3A_1 : i32
    "tpu.region"() ({
      %run_scoped3A = tpu.sem_alloc : memref<!tpu.dma_semaphore, #tpu.memory_space<semaphore_mem>>
      %dma_start3A_28 = arith.constant 0 : i32
      %dma_start3A_29 = tpu.memref_slice %arg2[%dma_start3A_28, %mul3A_2] : memref<50x4096xi32, #tpu.memory_space<hbm>> -> memref<50x128xi32, #tpu.memory_space<hbm>>
      %dma_start3A_30 = arith.constant 0 : i32
      %dma_start3A_31 = tpu.memref_slice %arg2[%dma_start3A_30, %mul3A_2] : memref<50x4096xi32, #tpu.memory_space<hbm>> -> memref<50x128xi32, #tpu.memory_space<hbm>>
      tpu.enqueue_dma source(%dma_start3A_31 : memref<50x128xi32, #tpu.memory_space<hbm>>) target(%arg5 : memref<50x128xi32, #tpu.memory_space<vmem>>) target_semaphore(%run_scoped3A : memref<!tpu.dma_semaphore, #tpu.memory_space<semaphore_mem>>)
      %dma_wait3A = arith.constant 0 : i32
      %dma_wait3A_32 = tpu.memref_slice %arg2[%dma_wait3A, %mul3A_2] : memref<50x4096xi32, #tpu.memory_space<hbm>> -> memref<50x128xi32, #tpu.memory_space<hbm>>
      %dma_wait3A_33 = arith.constant 0 : i32
      %dma_wait3A_34 = tpu.memref_slice %arg2[%dma_wait3A_33, %mul3A_2] : memref<50x4096xi32, #tpu.memory_space<hbm>> -> memref<50x128xi32, #tpu.memory_space<hbm>>
      tpu.wait_dma2 semaphore(%run_scoped3A : memref<!tpu.dma_semaphore, #tpu.memory_space<semaphore_mem>>) src(%dma_wait3A_34 : memref<50x128xi32, #tpu.memory_space<hbm>>) dst(%arg5 : memref<50x128xi32, #tpu.memory_space<vmem>>)
      tpu.yield
    }) : () -> ()
    %dma_start3A = arith.constant 0 : i32
    %dma_start3A_3 = arith.constant 0 : i32
    %dma_start3A_4 = tpu.memref_slice %arg5[%dma_start3A, %dma_start3A_3] : memref<50x128xi32, #tpu.memory_space<vmem>> -> memref<1x128xi32, #tpu.memory_space<vmem>>
    %dma_start3A_5 = tpu.memref_squeeze %dma_start3A_4 : memref<1x128xi32, #tpu.memory_space<vmem>> -> memref<128xi32, #tpu.memory_space<vmem>>
    %dma_start3A_6 = arith.constant 0 : i32
    %dma_start3A_7 = arith.constant 0 : i32
    %dma_start3A_8 = tpu.memref_slice %arg3[%dma_start3A_6, %dma_start3A_7] : memref<100000x128xf32, #tpu.memory_space<hbm>> -> memref<100000x128xf32, #tpu.memory_space<hbm>>
    tpu.enqueue_indirect_dma source(%dma_start3A_8 : memref<100000x128xf32, #tpu.memory_space<hbm>>) target(%arg6 : memref<128x128xf32, #tpu.memory_space<vmem>>) offsets(%dma_start3A_5 : memref<128xi32, #tpu.memory_space<vmem>>) semaphore(%arg9 : memref<!tpu.dma_semaphore, #tpu.memory_space<semaphore_mem>>)
    %dma_start3A_9 = arith.constant 1 : i32
    %dma_start3A_10 = arith.constant 0 : i32
    %dma_start3A_11 = tpu.memref_slice %arg5[%dma_start3A_9, %dma_start3A_10] : memref<50x128xi32, #tpu.memory_space<vmem>> -> memref<1x128xi32, #tpu.memory_space<vmem>>
    %dma_start3A_12 = tpu.memref_squeeze %dma_start3A_11 : memref<1x128xi32, #tpu.memory_space<vmem>> -> memref<128xi32, #tpu.memory_space<vmem>>
    %dma_start3A_13 = arith.constant 0 : i32
    %dma_start3A_14 = arith.constant 0 : i32
    %dma_start3A_15 = tpu.memref_slice %arg3[%dma_start3A_13, %dma_start3A_14] : memref<100000x128xf32, #tpu.memory_space<hbm>> -> memref<100000x128xf32, #tpu.memory_space<hbm>>
    tpu.enqueue_indirect_dma source(%dma_start3A_15 : memref<100000x128xf32, #tpu.memory_space<hbm>>) target(%arg7 : memref<128x128xf32, #tpu.memory_space<vmem>>) offsets(%dma_start3A_12 : memref<128xi32, #tpu.memory_space<vmem>>) semaphore(%arg10 : memref<!tpu.dma_semaphore, #tpu.memory_space<semaphore_mem>>)
    %broadcast_in_dim3A = arith.constant 0.000000e+00 : f32
    %broadcast_in_dim3A_16 = vector.broadcast %broadcast_in_dim3A : f32 to vector<16xf32>
    %scan3A = arith.constant 0 : i32
    %scan3A_17 = arith.constant 0 : i32
    %scan3A_18 = arith.constant 128 : i32
    %scan3A_19 = arith.addi %scan3A_17, %scan3A_18 : i32
    %scan3A_20 = arith.constant 1 : i32
    scf.for %scan3A_28 = %scan3A_17 to %scan3A_19 step %scan3A_20  : i32 {
      %swap3A = arith.index_cast %scan3A_28 : i32 to index
      %swap3A_29 = arith.constant 0 : index
      %swap3A_30 = tpu.vector_load %arg8[%swap3A, %swap3A_29] {strides = array<i32>} : memref<128x48xf32, #tpu.memory_space<vmem>>, vector<1x16xf32>,
      %swap3A_31 = vector.shape_cast %swap3A_30 : vector<1x16xf32> to vector<16xf32>
      %swap3A_32 = vector.shape_cast %broadcast_in_dim3A_16 : vector<16xf32> to vector<1x16xf32>
      tpu.vector_store %arg8[%swap3A, %swap3A_29], %swap3A_32 {strides = array<i32>} : memref<128x48xf32, #tpu.memory_space<vmem>>, vector<1x16xf32>,
      %swap3A_33 = arith.index_cast %scan3A_28 : i32 to index
      %swap3A_34 = arith.constant 16 : index
      %swap3A_35 = tpu.vector_load %arg8[%swap3A_33, %swap3A_34] {strides = array<i32>} : memref<128x48xf32, #tpu.memory_space<vmem>>, vector<1x16xf32>,
      %swap3A_36 = vector.shape_cast %swap3A_35 : vector<1x16xf32> to vector<16xf32>
      %swap3A_37 = vector.shape_cast %broadcast_in_dim3A_16 : vector<16xf32> to vector<1x16xf32>
      tpu.vector_store %arg8[%swap3A_33, %swap3A_34], %swap3A_37 {strides = array<i32>} : memref<128x48xf32, #tpu.memory_space<vmem>>, vector<1x16xf32>,
      %swap3A_38 = arith.index_cast %scan3A_28 : i32 to index
      %swap3A_39 = arith.constant 32 : index
      %swap3A_40 = tpu.vector_load %arg8[%swap3A_38, %swap3A_39] {strides = array<i32>} : memref<128x48xf32, #tpu.memory_space<vmem>>, vector<1x16xf32>,
      %swap3A_41 = vector.shape_cast %swap3A_40 : vector<1x16xf32> to vector<16xf32>
      %swap3A_42 = vector.shape_cast %broadcast_in_dim3A_16 : vector<16xf32> to vector<1x16xf32>
      tpu.vector_store %arg8[%swap3A_38, %swap3A_39], %swap3A_42 {strides = array<i32>} : memref<128x48xf32, #tpu.memory_space<vmem>>, vector<1x16xf32>,
    }
    %scan3A_21 = arith.constant 128 : i32
    %scan3A_22 = arith.constant 0 : i32
    %scan3A_23 = arith.constant 0 : i32
    %scan3A_24 = arith.constant 25 : i32
    %scan3A_25 = arith.addi %scan3A_23, %scan3A_24 : i32
    %scan3A_26 = arith.constant 1 : i32
    scf.for %scan3A_28 = %scan3A_23 to %scan3A_25 step %scan3A_26  : i32 {
      %mul3A_29 = arith.constant 2 : i32
      %mul3A_30 = arith.muli %scan3A_28, %mul3A_29 : i32
      %add3A_31 = arith.constant 0 : i32
      %add3A_32 = arith.addi %mul3A_30, %add3A_31 : i32
      %dma_wait3A = arith.constant 0 : i32
      %dma_wait3A_33 = tpu.memref_slice %arg5[%add3A_32, %dma_wait3A] : memref<50x128xi32, #tpu.memory_space<vmem>> -> memref<1x128xi32, #tpu.memory_space<vmem>>
      %dma_wait3A_34 = tpu.memref_squeeze %dma_wait3A_33 : memref<1x128xi32, #tpu.memory_space<vmem>> -> memref<128xi32, #tpu.memory_space<vmem>>
      %dma_wait3A_35 = arith.constant 0 : i32
      %dma_wait3A_36 = arith.constant 0 : i32
      %dma_wait3A_37 = tpu.memref_slice %arg3[%dma_wait3A_35, %dma_wait3A_36] : memref<100000x128xf32, #tpu.memory_space<hbm>> -> memref<100000x128xf32, #tpu.memory_space<hbm>>
      tpu.wait_indirect_dma semaphore(%arg9 : memref<!tpu.dma_semaphore, #tpu.memory_space<semaphore_mem>>) src(%dma_wait3A_37 : memref<100000x128xf32, #tpu.memory_space<hbm>>) dst(%arg6 : memref<128x128xf32, #tpu.memory_space<vmem>>)
      %scan3A_38 = arith.constant 0 : i32
      %scan3A_39 = arith.constant 0 : i32
      %scan3A_40 = arith.constant 128 : i32
      %scan3A_41 = arith.addi %scan3A_39, %scan3A_40 : i32
      %scan3A_42 = arith.constant 1 : i32
      scf.for %scan3A_69 = %scan3A_39 to %scan3A_41 step %scan3A_42  : i32 {
        %get3A = arith.index_cast %scan3A_69 : i32 to index
        %get3A_70 = arith.constant 80 : index
        %get3A_71 = tpu.vector_load %arg6[%get3A, %get3A_70] {strides = array<i32>} : memref<128x128xf32, #tpu.memory_space<vmem>>, vector<1x16xf32>,
        %get3A_72 = vector.shape_cast %get3A_71 : vector<1x16xf32> to vector<16xf32>
        %swap3A = arith.index_cast %scan3A_69 : i32 to index
        %swap3A_73 = arith.constant 0 : index
        %swap3A_74 = tpu.vector_load %arg8[%swap3A, %swap3A_73] {strides = array<i32>} : memref<128x48xf32, #tpu.memory_space<vmem>>, vector<1x16xf32>,
        %swap3A_75 = vector.shape_cast %swap3A_74 : vector<1x16xf32> to vector<16xf32>
        %swap3A_76 = vector.shape_cast %get3A_72 : vector<16xf32> to vector<1x16xf32>
        tpu.vector_store %arg8[%swap3A, %swap3A_73], %swap3A_76 {add = true, strides = array<i32>} : memref<128x48xf32, #tpu.memory_space<vmem>>, vector<1x16xf32>,
        %get3A_77 = arith.index_cast %scan3A_69 : i32 to index
        %get3A_78 = arith.constant 96 : index
        %get3A_79 = tpu.vector_load %arg6[%get3A_77, %get3A_78] {strides = array<i32>} : memref<128x128xf32, #tpu.memory_space<vmem>>, vector<1x16xf32>,
        %get3A_80 = vector.shape_cast %get3A_79 : vector<1x16xf32> to vector<16xf32>
        %swap3A_81 = arith.index_cast %scan3A_69 : i32 to index
        %swap3A_82 = arith.constant 16 : index
        %swap3A_83 = tpu.vector_load %arg8[%swap3A_81, %swap3A_82] {strides = array<i32>} : memref<128x48xf32, #tpu.memory_space<vmem>>, vector<1x16xf32>,
        %swap3A_84 = vector.shape_cast %swap3A_83 : vector<1x16xf32> to vector<16xf32>
        %swap3A_85 = vector.shape_cast %get3A_80 : vector<16xf32> to vector<1x16xf32>
        tpu.vector_store %arg8[%swap3A_81, %swap3A_82], %swap3A_85 {add = true, strides = array<i32>} : memref<128x48xf32, #tpu.memory_space<vmem>>, vector<1x16xf32>,
        %get3A_86 = arith.index_cast %scan3A_69 : i32 to index
        %get3A_87 = arith.constant 112 : index
        %get3A_88 = tpu.vector_load %arg6[%get3A_86, %get3A_87] {strides = array<i32>} : memref<128x128xf32, #tpu.memory_space<vmem>>, vector<1x16xf32>,
        %get3A_89 = vector.shape_cast %get3A_88 : vector<1x16xf32> to vector<16xf32>
        %swap3A_90 = arith.index_cast %scan3A_69 : i32 to index
        %swap3A_91 = arith.constant 32 : index
        %swap3A_92 = tpu.vector_load %arg8[%swap3A_90, %swap3A_91] {strides = array<i32>} : memref<128x48xf32, #tpu.memory_space<vmem>>, vector<1x16xf32>,
        %swap3A_93 = vector.shape_cast %swap3A_92 : vector<1x16xf32> to vector<16xf32>
        %swap3A_94 = vector.shape_cast %get3A_89 : vector<16xf32> to vector<1x16xf32>
        tpu.vector_store %arg8[%swap3A_90, %swap3A_91], %swap3A_94 {add = true, strides = array<i32>} : memref<128x48xf32, #tpu.memory_space<vmem>>, vector<1x16xf32>,
      }
      %scan3A_43 = arith.constant 128 : i32
      %add3A_44 = arith.constant 2 : i32
      %add3A_45 = arith.addi %add3A_32, %add3A_44 : i32
      %lt3A = arith.constant 50 : i32
      %lt3A_46 = arith.cmpi slt, %add3A_45, %lt3A : i32
      %convert_element_type3A = arith.extui %lt3A_46 : i1 to i32
      %cond3A = arith.constant 0 : i32
      %cond3A_47 = arith.cmpi ne, %convert_element_type3A, %cond3A : i32
      scf.if %cond3A_47 {
        %dma_start3A_69 = arith.constant 0 : i32
        %dma_start3A_70 = tpu.memref_slice %arg5[%add3A_45, %dma_start3A_69] : memref<50x128xi32, #tpu.memory_space<vmem>> -> memref<1x128xi32, #tpu.memory_space<vmem>>
        %dma_start3A_71 = tpu.memref_squeeze %dma_start3A_70 : memref<1x128xi32, #tpu.memory_space<vmem>> -> memref<128xi32, #tpu.memory_space<vmem>>
        %dma_start3A_72 = arith.constant 0 : i32
        %dma_start3A_73 = arith.constant 0 : i32
        %dma_start3A_74 = tpu.memref_slice %arg3[%dma_start3A_72, %dma_start3A_73] : memref<100000x128xf32, #tpu.memory_space<hbm>> -> memref<100000x128xf32, #tpu.memory_space<hbm>>
        tpu.enqueue_indirect_dma source(%dma_start3A_74 : memref<100000x128xf32, #tpu.memory_space<hbm>>) target(%arg6 : memref<128x128xf32, #tpu.memory_space<vmem>>) offsets(%dma_start3A_71 : memref<128xi32, #tpu.memory_space<vmem>>) semaphore(%arg9 : memref<!tpu.dma_semaphore, #tpu.memory_space<semaphore_mem>>)
      } else {
      }
      %add3A_48 = arith.constant 1 : i32
      %add3A_49 = arith.addi %mul3A_30, %add3A_48 : i32
      %dma_wait3A_50 = arith.constant 0 : i32
      %dma_wait3A_51 = tpu.memref_slice %arg5[%add3A_49, %dma_wait3A_50] : memref<50x128xi32, #tpu.memory_space<vmem>> -> memref<1x128xi32, #tpu.memory_space<vmem>>
      %dma_wait3A_52 = tpu.memref_squeeze %dma_wait3A_51 : memref<1x128xi32, #tpu.memory_space<vmem>> -> memref<128xi32, #tpu.memory_space<vmem>>
      %dma_wait3A_53 = arith.constant 0 : i32
      %dma_wait3A_54 = arith.constant 0 : i32
      %dma_wait3A_55 = tpu.memref_slice %arg3[%dma_wait3A_53, %dma_wait3A_54] : memref<100000x128xf32, #tpu.memory_space<hbm>> -> memref<100000x128xf32, #tpu.memory_space<hbm>>
      tpu.wait_indirect_dma semaphore(%arg10 : memref<!tpu.dma_semaphore, #tpu.memory_space<semaphore_mem>>) src(%dma_wait3A_55 : memref<100000x128xf32, #tpu.memory_space<hbm>>) dst(%arg7 : memref<128x128xf32, #tpu.memory_space<vmem>>)
      %scan3A_56 = arith.constant 0 : i32
      %scan3A_57 = arith.constant 0 : i32
      %scan3A_58 = arith.constant 128 : i32
      %scan3A_59 = arith.addi %scan3A_57, %scan3A_58 : i32
      %scan3A_60 = arith.constant 1 : i32
      scf.for %scan3A_69 = %scan3A_57 to %scan3A_59 step %scan3A_60  : i32 {
        %get3A = arith.index_cast %scan3A_69 : i32 to index
        %get3A_70 = arith.constant 80 : index
        %get3A_71 = tpu.vector_load %arg7[%get3A, %get3A_70] {strides = array<i32>} : memref<128x128xf32, #tpu.memory_space<vmem>>, vector<1x16xf32>,
        %get3A_72 = vector.shape_cast %get3A_71 : vector<1x16xf32> to vector<16xf32>
        %swap3A = arith.index_cast %scan3A_69 : i32 to index
        %swap3A_73 = arith.constant 0 : index
        %swap3A_74 = tpu.vector_load %arg8[%swap3A, %swap3A_73] {strides = array<i32>} : memref<128x48xf32, #tpu.memory_space<vmem>>, vector<1x16xf32>,
        %swap3A_75 = vector.shape_cast %swap3A_74 : vector<1x16xf32> to vector<16xf32>
        %swap3A_76 = vector.shape_cast %get3A_72 : vector<16xf32> to vector<1x16xf32>
        tpu.vector_store %arg8[%swap3A, %swap3A_73], %swap3A_76 {add = true, strides = array<i32>} : memref<128x48xf32, #tpu.memory_space<vmem>>, vector<1x16xf32>,
        %get3A_77 = arith.index_cast %scan3A_69 : i32 to index
        %get3A_78 = arith.constant 96 : index
        %get3A_79 = tpu.vector_load %arg7[%get3A_77, %get3A_78] {strides = array<i32>} : memref<128x128xf32, #tpu.memory_space<vmem>>, vector<1x16xf32>,
        %get3A_80 = vector.shape_cast %get3A_79 : vector<1x16xf32> to vector<16xf32>
        %swap3A_81 = arith.index_cast %scan3A_69 : i32 to index
        %swap3A_82 = arith.constant 16 : index
        %swap3A_83 = tpu.vector_load %arg8[%swap3A_81, %swap3A_82] {strides = array<i32>} : memref<128x48xf32, #tpu.memory_space<vmem>>, vector<1x16xf32>,
        %swap3A_84 = vector.shape_cast %swap3A_83 : vector<1x16xf32> to vector<16xf32>
        %swap3A_85 = vector.shape_cast %get3A_80 : vector<16xf32> to vector<1x16xf32>
        tpu.vector_store %arg8[%swap3A_81, %swap3A_82], %swap3A_85 {add = true, strides = array<i32>} : memref<128x48xf32, #tpu.memory_space<vmem>>, vector<1x16xf32>,
        %get3A_86 = arith.index_cast %scan3A_69 : i32 to index
        %get3A_87 = arith.constant 112 : index
        %get3A_88 = tpu.vector_load %arg7[%get3A_86, %get3A_87] {strides = array<i32>} : memref<128x128xf32, #tpu.memory_space<vmem>>, vector<1x16xf32>,
        %get3A_89 = vector.shape_cast %get3A_88 : vector<1x16xf32> to vector<16xf32>
        %swap3A_90 = arith.index_cast %scan3A_69 : i32 to index
        %swap3A_91 = arith.constant 32 : index
        %swap3A_92 = tpu.vector_load %arg8[%swap3A_90, %swap3A_91] {strides = array<i32>} : memref<128x48xf32, #tpu.memory_space<vmem>>, vector<1x16xf32>,
        %swap3A_93 = vector.shape_cast %swap3A_92 : vector<1x16xf32> to vector<16xf32>
        %swap3A_94 = vector.shape_cast %get3A_89 : vector<16xf32> to vector<1x16xf32>
        tpu.vector_store %arg8[%swap3A_90, %swap3A_91], %swap3A_94 {add = true, strides = array<i32>} : memref<128x48xf32, #tpu.memory_space<vmem>>, vector<1x16xf32>,
      }
      %scan3A_61 = arith.constant 128 : i32
      %add3A_62 = arith.constant 2 : i32
      %add3A_63 = arith.addi %add3A_49, %add3A_62 : i32
      %lt3A_64 = arith.constant 50 : i32
      %lt3A_65 = arith.cmpi slt, %add3A_63, %lt3A_64 : i32
      %convert_element_type3A_66 = arith.extui %lt3A_65 : i1 to i32
      %cond3A_67 = arith.constant 0 : i32
      %cond3A_68 = arith.cmpi ne, %convert_element_type3A_66, %cond3A_67 : i32
      scf.if %cond3A_68 {
        %dma_start3A_69 = arith.constant 0 : i32
        %dma_start3A_70 = tpu.memref_slice %arg5[%add3A_63, %dma_start3A_69] : memref<50x128xi32, #tpu.memory_space<vmem>> -> memref<1x128xi32, #tpu.memory_space<vmem>>
        %dma_start3A_71 = tpu.memref_squeeze %dma_start3A_70 : memref<1x128xi32, #tpu.memory_space<vmem>> -> memref<128xi32, #tpu.memory_space<vmem>>
        %dma_start3A_72 = arith.constant 0 : i32
        %dma_start3A_73 = arith.constant 0 : i32
        %dma_start3A_74 = tpu.memref_slice %arg3[%dma_start3A_72, %dma_start3A_73] : memref<100000x128xf32, #tpu.memory_space<hbm>> -> memref<100000x128xf32, #tpu.memory_space<hbm>>
        tpu.enqueue_indirect_dma source(%dma_start3A_74 : memref<100000x128xf32, #tpu.memory_space<hbm>>) target(%arg7 : memref<128x128xf32, #tpu.memory_space<vmem>>) offsets(%dma_start3A_71 : memref<128xi32, #tpu.memory_space<vmem>>) semaphore(%arg10 : memref<!tpu.dma_semaphore, #tpu.memory_space<semaphore_mem>>)
      } else {
      }
    }
    %scan3A_27 = arith.constant 25 : i32
    "tpu.region"() ({
      %run_scoped3A = tpu.sem_alloc : memref<!tpu.dma_semaphore, #tpu.memory_space<semaphore_mem>>
      %dma_start3A_28 = arith.constant 0 : i32
      %dma_start3A_29 = tpu.memref_slice %arg4[%mul3A_2, %dma_start3A_28] : memref<4096x48xf32, #tpu.memory_space<hbm>> -> memref<128x48xf32, #tpu.memory_space<hbm>>
      %dma_start3A_30 = arith.constant 0 : i32
      %dma_start3A_31 = tpu.memref_slice %arg4[%mul3A_2, %dma_start3A_30] : memref<4096x48xf32, #tpu.memory_space<hbm>> -> memref<128x48xf32, #tpu.memory_space<hbm>>
      tpu.enqueue_dma source(%arg8 : memref<128x48xf32, #tpu.memory_space<vmem>>) target(%dma_start3A_31 : memref<128x48xf32, #tpu.memory_space<hbm>>) target_semaphore(%run_scoped3A : memref<!tpu.dma_semaphore, #tpu.memory_space<semaphore_mem>>)
      %dma_wait3A = arith.constant 0 : i32
      %dma_wait3A_32 = tpu.memref_slice %arg4[%mul3A_2, %dma_wait3A] : memref<4096x48xf32, #tpu.memory_space<hbm>> -> memref<128x48xf32, #tpu.memory_space<hbm>>
      %dma_wait3A_33 = arith.constant 0 : i32
      %dma_wait3A_34 = tpu.memref_slice %arg4[%mul3A_2, %dma_wait3A_33] : memref<4096x48xf32, #tpu.memory_space<hbm>> -> memref<128x48xf32, #tpu.memory_space<hbm>>
      tpu.wait_dma2 semaphore(%run_scoped3A : memref<!tpu.dma_semaphore, #tpu.memory_space<semaphore_mem>>) src(%arg8 : memref<128x48xf32, #tpu.memory_space<vmem>>) dst(%dma_wait3A_34 : memref<128x48xf32, #tpu.memory_space<hbm>>)
      tpu.yield
    }) : () -> ()
    return
  }
}

module attributes {stable_mosaic.version = 14 : i64} {
  func.func @_mlp_body(%arg0: i32, %arg1: memref<512x256xf32, #tpu.memory_space<vmem>>, %arg2: memref<512x48xf32, #tpu.memory_space<vmem>>, %arg3: memref<512x1xi32, #tpu.memory_space<vmem>>, %arg4: memref<150x256xf32, #tpu.memory_space<vmem>>, %arg5: memref<150x48xf32, #tpu.memory_space<vmem>>, %arg6: memref<1x150xf32, #tpu.memory_space<vmem>>, %arg7: memref<150x150xf32, #tpu.memory_space<vmem>>, %arg8: memref<1x150xf32, #tpu.memory_space<vmem>>, %arg9: memref<1x150xf32, #tpu.memory_space<vmem>>, %arg10: memref<1x1xf32, #tpu.memory_space<smem>>, %arg11: memref<512x1xf32, #tpu.memory_space<vmem>>) attributes {dimension_semantics = [#tpu.dimension_semantics<arbitrary>], iteration_bounds = array<i64: 8>, scalar_prefetch = 0 : i64, scratch_operands = 0 : i64, tpu.core_type = #tpu.core_type<tc>, window_params = [{transform_indices = @transform_0, window_bounds = array<i64: 512, 256>}, {transform_indices = @transform_1, window_bounds = array<i64: 512, 48>}, {transform_indices = @transform_2, window_bounds = array<i64: 512, 1>}, {pipeline_mode = #tpu.pipeline_mode<synchronous>, transform_indices = @transform_3, window_bounds = array<i64: 150, 256>}, {pipeline_mode = #tpu.pipeline_mode<synchronous>, transform_indices = @transform_4, window_bounds = array<i64: 150, 48>}, {pipeline_mode = #tpu.pipeline_mode<synchronous>, transform_indices = @transform_5, window_bounds = array<i64: 1, 150>}, {pipeline_mode = #tpu.pipeline_mode<synchronous>, transform_indices = @transform_6, window_bounds = array<i64: 150, 150>}, {pipeline_mode = #tpu.pipeline_mode<synchronous>, transform_indices = @transform_7, window_bounds = array<i64: 1, 150>}, {pipeline_mode = #tpu.pipeline_mode<synchronous>, transform_indices = @transform_8, window_bounds = array<i64: 1, 150>}, {transform_indices = @transform_9, window_bounds = array<i64: 1, 1>}, {transform_indices = @transform_10, window_bounds = array<i64: 512, 1>}]} {
    %get3A = arith.constant 0 : index
    %get3A_0 = arith.constant 0 : index
    %get3A_1 = vector.load %arg3[%get3A, %get3A_0] : memref<512x1xi32, #tpu.memory_space<vmem>>, vector<512x1xi32>
    %convert_element_type3A = arith.sitofp %get3A_1 : vector<512x1xi32> to vector<512x1xf32>
    %div3A = arith.constant 1.000000e+00 : f32
    %div3A_2 = vector.broadcast %div3A : f32 to vector<512x1xf32>
    %div3A_3 = arith.divf %div3A_2, %convert_element_type3A : vector<512x1xf32>
    %get3A_4 = arith.constant 0 : index
    %get3A_5 = arith.constant 0 : index
    %get3A_6 = vector.load %arg1[%get3A_4, %get3A_5] : memref<512x256xf32, #tpu.memory_space<vmem>>, vector<512x256xf32>
    %mul3A = vector.broadcast %div3A_3 : vector<512x1xf32> to vector<512x256xf32>
    %mul3A_7 = arith.mulf %get3A_6, %mul3A : vector<512x256xf32>
    %get3A_8 = arith.constant 0 : index
    %get3A_9 = arith.constant 0 : index
    %get3A_10 = vector.load %arg2[%get3A_8, %get3A_9] : memref<512x48xf32, #tpu.memory_space<vmem>>, vector<512x48xf32>
    %mul3A_11 = vector.broadcast %div3A_3 : vector<512x1xf32> to vector<512x48xf32>
    %mul3A_12 = arith.mulf %get3A_10, %mul3A_11 : vector<512x48xf32>
    %get3A_13 = arith.constant 0 : index
    %get3A_14 = arith.constant 0 : index
    %get3A_15 = vector.load %arg4[%get3A_13, %get3A_14] : memref<150x256xf32, #tpu.memory_space<vmem>>, vector<150x256xf32>
    %dot_general3A = arith.constant dense<0.000000e+00> : vector<512x150xf32>
    %dot_general3A_16 = tpu.matmul %mul3A_7, %get3A_15, %dot_general3A {dimension_numbers = #tpu.dot_dimension_numbers<[1], [1], [0], [0], [0, 0, 1, 0], [], []>, transpose_lhs_hint = false} : vector<512x256xf32>, vector<150x256xf32>, vector<512x150xf32> -> vector<512x150xf32>
    %get3A_17 = arith.constant 0 : index
    %get3A_18 = arith.constant 0 : index
    %get3A_19 = vector.load %arg5[%get3A_17, %get3A_18] : memref<150x48xf32, #tpu.memory_space<vmem>>, vector<150x48xf32>
    %dot_general3A_20 = arith.constant dense<0.000000e+00> : vector<512x150xf32>
    %dot_general3A_21 = tpu.matmul %mul3A_12, %get3A_19, %dot_general3A_20 {dimension_numbers = #tpu.dot_dimension_numbers<[1], [1], [0], [0], [0, 0, 1, 0], [], []>, transpose_lhs_hint = false} : vector<512x48xf32>, vector<150x48xf32>, vector<512x150xf32> -> vector<512x150xf32>
    %add3A = arith.addf %dot_general3A_16, %dot_general3A_21 : vector<512x150xf32>
    %get3A_22 = arith.constant 0 : index
    %get3A_23 = arith.constant 0 : index
    %get3A_24 = vector.load %arg6[%get3A_22, %get3A_23] : memref<1x150xf32, #tpu.memory_space<vmem>>, vector<1x150xf32>
    %add3A_25 = vector.broadcast %get3A_24 : vector<1x150xf32> to vector<512x150xf32>
    %add3A_26 = arith.addf %add3A, %add3A_25 : vector<512x150xf32>
    %max3A = arith.constant 0.000000e+00 : f32
    %max3A_27 = vector.broadcast %max3A : f32 to vector<512x150xf32>
    %max3A_28 = arith.maximumf %add3A_26, %max3A_27 : vector<512x150xf32>
    %get3A_29 = arith.constant 0 : index
    %get3A_30 = arith.constant 0 : index
    %get3A_31 = vector.load %arg7[%get3A_29, %get3A_30] : memref<150x150xf32, #tpu.memory_space<vmem>>, vector<150x150xf32>
    %dot_general3A_32 = arith.constant dense<0.000000e+00> : vector<512x150xf32>
    %dot_general3A_33 = tpu.matmul %max3A_28, %get3A_31, %dot_general3A_32 {dimension_numbers = #tpu.dot_dimension_numbers<[1], [1], [0], [0], [0, 0, 1, 0], [], []>, transpose_lhs_hint = false} : vector<512x150xf32>, vector<150x150xf32>, vector<512x150xf32> -> vector<512x150xf32>
    %get3A_34 = arith.constant 0 : index
    %get3A_35 = arith.constant 0 : index
    %get3A_36 = vector.load %arg8[%get3A_34, %get3A_35] : memref<1x150xf32, #tpu.memory_space<vmem>>, vector<1x150xf32>
    %add3A_37 = vector.broadcast %get3A_36 : vector<1x150xf32> to vector<512x150xf32>
    %add3A_38 = arith.addf %dot_general3A_33, %add3A_37 : vector<512x150xf32>
    %max3A_39 = arith.constant 0.000000e+00 : f32
    %max3A_40 = vector.broadcast %max3A_39 : f32 to vector<512x150xf32>
    %max3A_41 = arith.maximumf %add3A_38, %max3A_40 : vector<512x150xf32>
    %get3A_42 = arith.constant 0 : index
    %get3A_43 = arith.constant 0 : index
    %get3A_44 = vector.load %arg9[%get3A_42, %get3A_43] : memref<1x150xf32, #tpu.memory_space<vmem>>, vector<1x150xf32>
    %mul3A_45 = vector.broadcast %get3A_44 : vector<1x150xf32> to vector<512x150xf32>
    %mul3A_46 = arith.mulf %max3A_41, %mul3A_45 : vector<512x150xf32>
    %reduce_sum3A = arith.constant dense<0.000000e+00> : vector<512xf32>
    %reduce_sum3A_47 = vector.multi_reduction <add>, %mul3A_46, %reduce_sum3A [1] : vector<512x150xf32> to vector<512xf32>
    %broadcast_in_dim3A = vector.shape_cast %reduce_sum3A_47 : vector<512xf32> to vector<512x1xf32>
    %get3A_48 = arith.constant 0 : index
    %get3A_49 = arith.constant 0 : index
    %get3A_50 = memref.load %arg10[%get3A_48, %get3A_49] : memref<1x1xf32, #tpu.memory_space<smem>>
    %add3A_51 = vector.broadcast %get3A_50 : f32 to vector<512x1xf32>
    %add3A_52 = arith.addf %broadcast_in_dim3A, %add3A_51 : vector<512x1xf32>
    %swap3A = arith.constant 0 : index
    %swap3A_53 = arith.constant 0 : index
    %swap3A_54 = vector.load %arg11[%swap3A, %swap3A_53] : memref<512x1xf32, #tpu.memory_space<vmem>>, vector<512x1xf32>
    tpu.vector_store %arg11[%swap3A, %swap3A_53], %add3A_52 {strides = array<i32>} : memref<512x1xf32, #tpu.memory_space<vmem>>, vector<512x1xf32>,
    return
  }
  func.func @transform_0(%arg0: i32) -> (i32, i32) {
    %c0_i32 = arith.constant 0 : i32
    %c0_i32_0 = arith.constant 0 : i32
    return %arg0, %c0_i32 : i32, i32
  }
  func.func @transform_1(%arg0: i32) -> (i32, i32) {
    %c0_i32 = arith.constant 0 : i32
    %c0_i32_0 = arith.constant 0 : i32
    return %arg0, %c0_i32 : i32, i32
  }
  func.func @transform_2(%arg0: i32) -> (i32, i32) {
    %c0_i32 = arith.constant 0 : i32
    %c0_i32_0 = arith.constant 0 : i32
    return %arg0, %c0_i32 : i32, i32
  }
  func.func @transform_3(%arg0: i32) -> (i32, i32) {
    %c0_i32 = arith.constant 0 : i32
    %c0_i32_0 = arith.constant 0 : i32
    %c0_i32_1 = arith.constant 0 : i32
    return %c0_i32, %c0_i32_0 : i32, i32
  }
  func.func @transform_4(%arg0: i32) -> (i32, i32) {
    %c0_i32 = arith.constant 0 : i32
    %c0_i32_0 = arith.constant 0 : i32
    %c0_i32_1 = arith.constant 0 : i32
    return %c0_i32, %c0_i32_0 : i32, i32
  }
  func.func @transform_5(%arg0: i32) -> (i32, i32) {
    %c0_i32 = arith.constant 0 : i32
    %c0_i32_0 = arith.constant 0 : i32
    %c0_i32_1 = arith.constant 0 : i32
    return %c0_i32, %c0_i32_0 : i32, i32
  }
  func.func @transform_6(%arg0: i32) -> (i32, i32) {
    %c0_i32 = arith.constant 0 : i32
    %c0_i32_0 = arith.constant 0 : i32
    %c0_i32_1 = arith.constant 0 : i32
    return %c0_i32, %c0_i32_0 : i32, i32
  }
  func.func @transform_7(%arg0: i32) -> (i32, i32) {
    %c0_i32 = arith.constant 0 : i32
    %c0_i32_0 = arith.constant 0 : i32
    %c0_i32_1 = arith.constant 0 : i32
    return %c0_i32, %c0_i32_0 : i32, i32
  }
  func.func @transform_8(%arg0: i32) -> (i32, i32) {
    %c0_i32 = arith.constant 0 : i32
    %c0_i32_0 = arith.constant 0 : i32
    %c0_i32_1 = arith.constant 0 : i32
    return %c0_i32, %c0_i32_0 : i32, i32
  }
  func.func @transform_9(%arg0: i32) -> (i32, i32) {
    %c0_i32 = arith.constant 0 : i32
    %c0_i32_0 = arith.constant 0 : i32
    %c0_i32_1 = arith.constant 0 : i32
    return %c0_i32, %c0_i32_0 : i32, i32
  }
  func.func @transform_10(%arg0: i32) -> (i32, i32) {
    %c0_i32 = arith.constant 0 : i32
    %c0_i32_0 = arith.constant 0 : i32
    return %arg0, %c0_i32 : i32, i32
  }
}

</mosaic_0001>

<sc_bundles>
// kernel: kernel.5.cloned.1.call-start
scs
__scs_entry_jumppad:
0x0: {  	(pc) =	sbr.rel $0x88, $3  }
0x1: {  	(tag) =	ssettag $0x0;
	lr =	simm.s32 $0x1  }
0x2: {  	[smem:$0x3F98] =	sst lr;
	_ =	strace $0xD0000000  }
0x3: {  	_ = 	snop  }
0x4: {  	_ = 	snop  }
0x5: {  	_ = 	snop  }
0x6: {  	_ = 	snop  }
0x7: {  	_ = 	snop  }
__scs_overlays_trampoline_lowered:
0x8: {  	[smem:$0x3FA7] =	sst s0  }
0x9: {  	[smem:$0x3FA8] =	sst s1  }
0xa: {  	[smem:$0x3FA9] =	sst s2  }
0xb: {  	[smem:$0x3FAA] =	sst s3  }
0xc: {  	[smem:$0x3FAB] =	sst s4  }
0xd: {  	[smem:$0x3FAC] =	sst s5  }
0xe: {  	[smem:$0x3FAD] =	sst s6  }
0xf: {  	[smem:$0x3FAE] =	sst s7  }
0x10: {  	[smem:$0x3FAF] =	sst s8  }
0x11: {  	[smem:$0x3FB0] =	sst s9;
	s0 =	simm.s32 @!p0 $0x0  }
0x12: {  	s1 =	sld [smem:$0x3F96];
	s0 =	simm.s32 @p0 $0x1  }
0x13: {  	[smem:$0x3FB1] =	sst s0;
	s0 =	simm.s32 @!p1 $0x0  }
0x14: {  	s2 =	sld [smem:$0x3F95];
	s0 =	simm.s32 @p1 $0x1  }
0x15: {  	[smem:$0x3FB2] =	sst s0;
	s0 =	simm.s32 @!p2 $0x0  }
0x16: {  	s3 =	sld [smem:$0x3FDB];
	s0 =	simm.s32 @p2 $0x1  }
0x17: {  	s4 =	simm.s32 $0x1BF5;
	[smem:$0x3FB4] =	sst s0  }
0x18: {  	s0 =	sld [smem:$0x3F97];
	_ =	swait.ge [sflag:s4], $0x0  }
0x19: {  	s7 =	sld [smem:$0x3F98]  }
0x1a: {  	s8 =	sadd.s32 $0xFFFFE003, lr  }
0x1b: {  	s9 =	sadd.s32 $0xFFFFFEF7, lr;
	s5 =	simm.s32 $0xFFFFFFFF;
	p2 =	slt.u32 s8, $0xFFFFF086  }
0x1c: {  	p1 =	slt.u32 s9, $0xF7A;
	s5 =	simm.s32 @!p2 $0x0  }
0x1d: {  	s5 =	simm.s32 @p1 $0x1;
	p0 =	seq.s32 s7, s2  }
0x1e: {  	s7 =	smul.u32 @!p0 $0xF7A, s2;
	p2 =	seq.s32 @!p0 s5, $0x0  }
0x1f: {  	s9 =	smul.u32 $0xF7A, s1;
	s8 =	simm.s32 @!p0 $0x1BF5;
	p2 =	por !p2, p0  }
0x20: {  	[sflag:s8] =	ssyncset.s32 @!p0 $0xFFFFF086;
	s6 =	sadd.s32 @!p0 s3, s7;
	s7 =	simm.s32 @!p0 $0x108  }
0x21: {  	s3 =	sadd.s32 s3, s9;
	s6 =	sadd.s32 @!p0 $0x88, s6;
	s7 =	simm.s32 @p2 $0x1082  }
0x22: {  	[simem:s7], [sflag:s8] =	dma.local @!p0 [hbm:s6], $0xF7A  }
0x23: {  	s9 =	sor.u32 $0xD0000000, s2;
	s6 =	simm.s32 $0x108;
	_ =	swait.ge @!p0 [sflag:s8], $0x0  }
0x24: {  	s3 =	sadd.s32 $0x88, s3;
	s6 =	simm.s32 @!p1 $0x1082;
	[sflag:s4] =	ssyncset.s32 $0xFFFFF086  }
0x25: {  	[simem:s6], [sflag:s4] =	dma.local [hbm:s3], $0xF7A  }
0x26: {  	[smem:$0x3F98] =	sst s1;
	(tag) =	ssettag s2;
	_ =	strace s9  }
0x27: {  	s1 =	sld [smem:$0x3FA8]  }
0x28: {  	s2 =	sld [smem:$0x3FA9]  }
0x29: {  	s4 =	sld [smem:$0x3FAB]  }
0x2a: {  	p0 =	seq.s32 s5, $0x0;
	s5 =	sld [smem:$0x3FAC]  }
0x2b: {  	s6 =	sld [smem:$0x3FAD]  }
0x2c: {  	s7 =	sld [smem:$0x3FAE]  }
0x2d: {  	s3 =	simm.s32 $0x108;
	s8 =	sld [smem:$0x3FAF]  }
0x2e: {  	s3 =	simm.s32 @!p0 $0x1082;
	s9 =	sld [smem:$0x3FB0]  }
0x2f: {  	lr =	sadd.s32 s0, s3;
	s0 =	sld [smem:$0x3FA7]  }
0x30: {  	s3 =	sld [smem:$0x3FAA]  }
0x31: {  	[smem:$0x3FB3] =	sst s10  }
0x32: {  	s10 =	sld [smem:$0x3FB1];
	_ =	sdelay $0x3  }
0x33: {  	p0 =	seq.s32 s10, $0x1;
	s10 =	sld [smem:$0x3FB3];
	_ =	sdelay $0x3  }
0x34: {  	[smem:$0x3FB3] =	sst s10  }
0x35: {  	s10 =	sld [smem:$0x3FB2];
	_ =	sdelay $0x3  }
0x36: {  	p1 =	seq.s32 s10, $0x1;
	s10 =	sld [smem:$0x3FB3];
	_ =	sdelay $0x3  }
0x37: {  	[smem:$0x3FB3] =	sst s10  }
0x38: {  	s10 =	sld [smem:$0x3FB4]  }
0x39: {  	_ = 	snop;
	(pc) =	sbr.ind lr, $3  }
0x3a: {  	_ = 	snop  }
0x3b: {  	_ = 	snop  }
0x3c: {  	p2 =	seq.s32 s10, $0x1;
	s10 =	sld [smem:$0x3FB3]  }
0x3d: {  	_ =	shalt  }
0x3e: {  	_ =	shalt  }
0x3f: {  	_ =	shalt  }
0x40: {  	_ =	shalt  }
0x41: {  	_ =	shalt  }
0x42: {  	_ =	shalt  }
0x43: {  	_ =	shalt  }
0x44: {  	_ =	shalt  }
0x45: {  	_ =	shalt  }
0x46: {  	_ =	shalt  }
0x47: {  	_ =	shalt  }
0x48: {  	_ =	shalt  }
0x49: {  	_ =	shalt  }
0x4a: {  	_ =	shalt  }
0x4b: {  	_ =	shalt  }
0x4c: {  	_ =	shalt  }
0x4d: {  	_ =	shalt  }
0x4e: {  	_ =	shalt  }
0x4f: {  	_ =	shalt  }
0x50: {  	_ =	shalt  }
0x51: {  	_ =	shalt  }
0x52: {  	_ =	shalt  }
0x53: {  	_ =	shalt  }
0x54: {  	_ =	shalt  }
0x55: {  	_ =	shalt  }
0x56: {  	_ =	shalt  }
0x57: {  	_ =	shalt  }
0x58: {  	_ =	shalt  }
0x59: {  	_ =	shalt  }
0x5a: {  	_ =	shalt  }
0x5b: {  	_ =	shalt  }
0x5c: {  	_ =	shalt  }
0x5d: {  	_ =	shalt  }
0x5e: {  	_ =	shalt  }
0x5f: {  	_ =	shalt  }
0x60: {  	_ =	shalt  }
0x61: {  	_ =	shalt  }
0x62: {  	_ =	shalt  }
0x63: {  	_ =	shalt  }
0x64: {  	_ =	shalt  }
0x65: {  	_ =	shalt  }
0x66: {  	_ =	shalt  }
0x67: {  	_ =	shalt  }
0x68: {  	_ =	shalt  }
0x69: {  	_ =	shalt  }
0x6a: {  	_ =	shalt  }
0x6b: {  	_ =	shalt  }
0x6c: {  	_ =	shalt  }
0x6d: {  	_ =	shalt  }
0x6e: {  	_ =	shalt  }
0x6f: {  	_ =	shalt  }
0x70: {  	_ =	shalt  }
0x71: {  	_ =	shalt  }
0x72: {  	_ =	shalt  }
0x73: {  	_ =	shalt  }
0x74: {  	_ =	shalt  }
0x75: {  	_ =	shalt  }
0x76: {  	_ =	shalt  }
0x77: {  	_ =	shalt  }
0x78: {  	_ =	shalt  }
0x79: {  	_ =	shalt  }
0x7a: {  	_ =	shalt  }
0x7b: {  	_ =	shalt  }
0x7c: {  	_ =	shalt  }
0x7d: {  	_ =	shalt  }
0x7e: {  	_ =	shalt  }
0x7f: {  	_ =	shalt  }
0x80: {  	_ =	shalt  }
0x81: {  	_ =	shalt  }
0x82: {  	_ =	shalt  }
0x83: {  	_ =	shalt  }
0x84: {  	_ =	shalt  }
0x85: {  	_ =	shalt  }
0x86: {  	_ =	shalt  }
0x87: {  	_ =	shalt  }
.Lfunc_end0:
.L_simem_size_0:
called_computation_lowered:
.L_overlay_start_0:
0x88: {  	s2 =	sld [smem:$0x3FD9]  }
0x89: {  	s3 =	sld [smem:$0x3FFE];
	_ =	sdelay $0x1  }
0x8a: {  	s1 =	srdreg.scid  }
0x8b: {  	s0 =	sand.u32 $0x1, s1  }
0x8c: {  	s17 =	sshll.u32 s0, $0xA;
	s2 =	sadd.s32 s3, s2  }
0x8d: {  	s2 =	sadd.s32 s2, s17  }
0x8e: {  	[smem:$0x3FBF] =	sst s2  }
0x8f: {  	_ = 	snop  }
0x90: {  	s2 =	sld [smem:$0x3FC9];
	(tm) =	ssettm $0x1  }
0x91: {  	s18 =	sld [smem:$0x3FFB];
	_ =	sdelay $0x3  }
0x92: {  	_ =	strace s18  }
0x93: {  	s3 =	sld [smem:$0x3FFC];
	_ =	sdelay $0x3  }
0x94: {  	_ =	strace s3  }
0x95: {  	s3 =	sld [smem:$0x3FFD];
	_ =	sdelay $0x3  }
0x96: {  	_ =	strace s3  }
0x97: {  	_ =	strace $0x8FFFFFFF  }
0x98: {  	s19 =	sld [smem:$0x3FDB];
	_ =	sdelay $0x1  }
0x99: {  	s4 =	simm.s32 $_scs_section_size  }
0x9a: {  	s5 =	simm.s32 $_size__tile_overlayer_lowered;
	s6 =	simm.s32 $_tile_overlayer_lowered  }
0x9b: {  	s22 =	simm.s32 $0x1BFF;
	s21 =	sshll.u32 s6, $0x1;
	s3 =	sadd.s32 s4, s19  }
0x9c: {  	s7 =	simm.s32 $0x0;
	s20 =	sshll.u32 s5, $0x1;
	s5 =	sadd.s32 s21, s3  }
0x9d: {  	[timem:s7], [sflag:s22] =	dma.local [hbm:s5], s20  }
0x9e: {  	_ =	swait.ge [sflag:s22], s20  }
0x9f: {  	s4 =	ssub.s32 $0x0, s20;
	[sflag:s22] =	ssyncset.done $0x0  }
0xa0: {  	[sflag:s22] =	ssyncadd.s32 s4;
	_ =	sdelay $0x1  }
0xa1: {  	s23 =	simm.s32 $0x1B8B  }
0xa2: {  	_ =	swait.ge [sflag:s23], $0x1  }
0xa3: {  	[sflag:s23] =	ssyncset.done $0x0  }
0xa4: {  	s25 =	simm.s32 $0x1B8E;
	s24 =	sld [smem:$0x3FFE];
	[sflag:s23] =	ssyncadd.s32 $0xFFFFFFFF  }
0xa5: {  	s26 =	simm.s32 $execute0_lowered;
	[smem:$0x3FD2] =	sst s25  }
0xa6: {  	s5 =	sshll.u32 s26, $0x1;
	_ =	strace $0x80000046;
	[dreg:$0x1] =	wrdreg $0xFFFFFFFF  }
0xa7: {  	s28 =	simm.s32 $_size_execute0_lowered;
	s3 =	sadd.s32 s3, s5;
	[dreg:$0x0] =	wrdreg $0x0  }
0xa8: {  	s5 =	sshll.u32 s28, $0x1;
	[dreg:$0x2] =	wrdreg s3  }
0xa9: {  	[dreg:$0x3] =	wrdreg s5  }
0xaa: {  	[dreg:$0x4] =	wrdreg $0xC0  }
0xab: {  	_ =	task [dreg:s7], $0x5FFFF  }
0xac: {  	[dreg:$0x1] =	wrdreg $0xFFFFFFFF  }
0xad: {  	[dreg:$0x0] =	wrdreg $0x60  }
0xae: {  	[dreg:$0x2] =	wrdreg s2  }
0xaf: {  	[dreg:$0x3] =	wrdreg s24  }
0xb0: {  	[dreg:$0x4] =	wrdreg $0x9  }
0xb1: {  	_ =	task.clear_ibuf [dreg:s7], $0x5FFFF;
	_ =	strace $0x90000046  }
0xb2: {  	s29 =	simm.s32 $0x9;
	_ =	strace $0x80000048  }
0xb3: {  	_ =	swait.ge [sflag:s29], $0x1  }
0xb4: {  	[sflag:s29] =	ssyncadd.s32 $0xFFFFFFFF  }
0xb5: {  	_ =	strace $0x90000048  }
0xb6: {  	_ =	sfence  }
0xb7: {  	s30 =	sld [smem:$0x0];
	_ =	sdelay $0x2  }
0xb8: {  	s31 =	sshll.u32 s1, $0xD;
	s1 =	sshrl.u32 s1, $0x2  }
0xb9: {  	s3 =	sand.u32 $0x4000, s31;
	s1 =	sadd.s32 s1, s30  }
0xba: {  	s0 =	sor.u32 s3, s0;
	s1 =	sshll.u32 s1, $0x11  }
0xbb: {  	s0 =	sor.u32 s1, s0  }
0xbc: {  	s0 =	sadd.s32 $0x8F2B, s0  }
0xbd: {  	[sflag:s0] =	ssyncadd.remote.s32 $0x1  }
0xbe: {  	_ =	sfence.sel $0xFFFF  }
0xbf: {  	[dreg:$0x0] =	wrdreg $0xFFFFFFFF;
	(pc) =	sbr.abs _section_cstart, $3  }
0xc0: {  	[dreg:$0x1] =	wrdreg $0xFFFFFFFF  }
0xc1: {  	_ =	task.clear_ibuf [dreg:s7], $0x2FFFF;
	_ =	strace $0x9FFFFFFF  }
0xc2: {  	(tm) =	ssettm $0x7FFFFFFF  }
0xc3: {  	_ =	shalt  }
tec
execute0_lowered:
.L_overlay_start_1:
0x0: {  	(tag) =	ssettag $0x1  }
0x1: {  	s0 =	rddreg [dreg:$0x0]  }
0x2: {  	s1 =	rddreg [dreg:$0x1];
	s3 =	srdreg.scid;
	s2 =	simm.s32 $0x0  }
0x3: {  	s4 =	stileid.u32;
	s26 =	simm.s32 $0x3;
	s9 =	simm.s32 $0xA000  }
0x4: {  	s11 =	simm.s32 $0xA800;
	s12 =	simm.s32 $0xD000;
	s13 =	simm.s32 $0xD800  }
0x5: {  	s14 =	simm.s32 $0xE000;
	s15 =	simm.s32 $0xE800;
	s16 =	simm.s32 $0xF000  }
0x6: {  	s10 =	simm.s32 $0xF800;
	s17 =	simm.s32 $0x10000;
	s18 =	simm.s32 $0x10800  }
0x7: {  	s19 =	simm.s32 $0x11000;
	s20 =	simm.s32 $0x11800;
	s21 =	simm.s32 $0x1  }
0x8: {  	s22 =	simm.s32 $0x2;
	s24 =	simm.s32 $0x0;
	s3 =	sand.u32 $0x1, s3  }
0x9: {  	[smem:$0x7FF] =	sst s2;
	s4 =	sshll.u32 s4, $0x8;
	s5 =	sshll.u32 s3, $0x7  }
0xa: {  	_ =	strace $0x80000047;
	s29 =	ssub.s32 $0x2, s3;
	s4 =	sor.u32 s5, s4  }
0xb: {  	s3 =	sadd.s32 $0x1800, s1;
	s7 =	sshrl.u32 s29, $0x1;
	s6 =	sshll.u32 s4, $0x5  }
0xc: {  	s5 =	ssub.s32 s29, s7;
	s0 =	sadd.s32 s0, s4;
	s7 =	simm.s32 $0xB800  }
.Ltmp0:
0xd: {  	s4 =	simm.s32 $0xC800;
	s8 =	sadd.s32 s6, s1;
	(pc) =	sbr.rel .LBB2_1-.Ltmp0, $4  }
0xe: {  	[dreg:$0x3] =	wrdreg s0;
	s0 =	sadd.s32 $0x6000, s0;
	s6 =	sadd.s32 $0x1880, s1  }
0xf: {  	v2 =	vlaneseq.u32;
	s31 =	smax.u32 s5, $0x1;
	s1 =	simm.s32 $0x11400;
	[dreg:$0x4] =	wrdreg s0  }
0x10: {  	vm0 =	vmmov $0xff;
	v3 =	vimm.f32 $0.0e+00;
	v1 =	vshrl.u32 v2, $0x3;
	s5 =	simm.s32 $0xB000;
	s30 =	sadd.s32 $0x495600, s8;
	[dreg:$0x6] =	wrdreg s31  }
0x11: {  	v0 =	vand.u32 $0x7, v2;
	v2 =	vor.u32 $0x8, v2;
	v1 =	vmul.u32 $0x8, v1;
	s0 =	simm.s32 $0x10C00;
	s8 =	simm.s32 $0xC000;
	[dreg:$0x5] =	wrdreg s30  }
.LBB2_14:
0x12: {  	s23 =	rddreg [dreg:$0x5];
	s24 =	simm.s32 $0x11C00;
	s26 =	simm.s32 $0x3  }
0x13: {  	[hbm4b:s23+s2] =	stream.linear.scatter [tilespmem:s24], [sflag:$0x3], $0x8000, $0x38;
	[tilespmem:$0x19C00] =	vst v63  }
0x14: {  	_ =	swait.ge [sflag:s26], $0x8000  }
0x15: {  	s30 =	rddreg [dreg:$0x7]  }
0x16: {  	s31 =	rddreg [dreg:$0x6];
	s24 =	sadd.s32 $0x1, s30  }
0x17: {  	p0 =	sne.s32 s24, s31  }
.Ltmp1:
0x18: {  	_ = 	snop;
	(pc) =	sbr.rel @!p0 .LBB2_15-.Ltmp1, $3  }
0x19: {  	_ =	sdelay $0x1  }
0x1a: {  	[sflag:s26] =	ssyncset.done $0x0  }
0x1b: {  	[sflag:s26] =	ssyncadd.s32 $0xFFFF8000  }
.LBB2_1:
0x1c: {  	[dreg:$0x7] =	wrdreg s24  }
0x1d: {  	s23 =	rddreg [dreg:$0x3];
	s29 =	simm.s32 $0x400;
	s25 =	simm.s32 $0x8000  }
0x1e: {  	[tilespmem:s2], [sflag:$0x3] =	stream.strided.gather [hbm4b:s23+s29], $0x1800, s25, s29, $0x38;
	[tilespmem:$0x19C00] =	vst v63  }
0x1f: {  	s30 =	rddreg [dreg:$0x4];
	s31 =	simm.s32 $0x1800  }
0x20: {  	[tilespmem:s31], [sflag:$0x3] =	stream.linear.gather [hbm4b:s30+s2], $0x100, $0x38;
	[tilespmem:$0x19C00] =	vst v63  }
0x21: {  	_ =	swait.ge [sflag:s26], $0x1900  }
0x22: {  	[sflag:s26] =	ssyncset.done $0x0  }
0x23: {  	[sflag:s26] =	ssyncadd.s32 $0xFFFFE700  }
0x24: {  	v4 =	vld [tilespmem:$0x0];
	_ =	sdelay $0x4  }
0x25: {  	v5 =	vshrl.u32 v4, $0x3  }
0x26: {  	v5 =	vmul.u32 $0x18, v5  }
0x27: {  	v4 =	vand.u32 $0x7, v4  }
0x28: {  	v4 =	vor.u32 v4, v5  }
0x29: {  	v5 =	vperm.xlane v4, v0;
	_ =	sdelay $0x1  }
0x2a: {  	v4 =	vperm.xlane v4, v2;
	v5 =	vadd.s32 v1, v5;
	_ =	sdelay $0x1  }
0x2b: {  	v4 =	vadd.s32 v1, v4;
	_ =	sdelay $0x1  }
0x2c: {  	s24 =	simm.s32 $0x1C00  }
0x2d: {  	[tilespmem:s24], [sflag:$0x1] =	stream.indirect_vreg.gather [hbm4b:s3+s2], $0x80, v5, vm0, $0xb8;
	[tilespmem:$0x19C00] =	vst v63  }
0x2e: {  	s26 =	simm.s32 $0x2400  }
0x2f: {  	[tilespmem:s26], [sflag:$0x1] =	stream.indirect_vreg.gather [hbm4b:s3+s2], $0x80, v4, vm0, $0xb8;
	[tilespmem:$0x19C00] =	vst v63  }
0x30: {  	v4 =	vld [tilespmem:$0x10];
	_ =	sdelay $0x4  }
0x31: {  	v5 =	vshrl.u32 v4, $0x3  }
0x32: {  	v5 =	vmul.u32 $0x18, v5  }
0x33: {  	v4 =	vand.u32 $0x7, v4  }
0x34: {  	v4 =	vor.u32 v4, v5  }
0x35: {  	v5 =	vperm.xlane v4, v0;
	_ =	sdelay $0x1  }
0x36: {  	v4 =	vperm.xlane v4, v2;
	v5 =	vadd.s32 v1, v5;
	_ =	sdelay $0x1  }
0x37: {  	v4 =	vadd.s32 v1, v4;
	_ =	sdelay $0x1  }
0x38: {  	s29 =	simm.s32 $0x2C00  }
0x39: {  	[tilespmem:s29], [sflag:$0x1] =	stream.indirect_vreg.gather [hbm4b:s3+s2], $0x80, v5, vm0, $0xb8;
	[tilespmem:$0x19C00] =	vst v63  }
0x3a: {  	s30 =	simm.s32 $0x3400  }
0x3b: {  	[tilespmem:s30], [sflag:$0x1] =	stream.indirect_vreg.gather [hbm4b:s3+s2], $0x80, v4, vm0, $0xb8;
	[tilespmem:$0x19C00] =	vst v63  }
0x3c: {  	v4 =	vld [tilespmem:$0x20];
	_ =	sdelay $0x4  }
0x3d: {  	v5 =	vshrl.u32 v4, $0x3  }
0x3e: {  	v5 =	vmul.u32 $0x18, v5  }
0x3f: {  	v4 =	vand.u32 $0x7, v4  }
0x40: {  	v4 =	vor.u32 v4, v5  }
0x41: {  	v5 =	vperm.xlane v4, v0;
	_ =	sdelay $0x1  }
0x42: {  	v4 =	vperm.xlane v4, v2;
	v5 =	vadd.s32 v1, v5;
	_ =	sdelay $0x1  }
0x43: {  	v4 =	vadd.s32 v1, v4;
	_ =	sdelay $0x1  }
0x44: {  	s31 =	simm.s32 $0x3C00  }
0x45: {  	[tilespmem:s31], [sflag:$0x1] =	stream.indirect_vreg.gather [hbm4b:s3+s2], $0x80, v5, vm0, $0xb8;
	[tilespmem:$0x19C00] =	vst v63  }
0x46: {  	s24 =	simm.s32 $0x4400  }
0x47: {  	[tilespmem:s24], [sflag:$0x1] =	stream.indirect_vreg.gather [hbm4b:s3+s2], $0x80, v4, vm0, $0xb8;
	[tilespmem:$0x19C00] =	vst v63  }
0x48: {  	v4 =	vld [tilespmem:$0x30];
	_ =	sdelay $0x4  }
0x49: {  	v5 =	vshrl.u32 v4, $0x3  }
0x4a: {  	v5 =	vmul.u32 $0x18, v5  }
0x4b: {  	v4 =	vand.u32 $0x7, v4  }
0x4c: {  	v4 =	vor.u32 v4, v5  }
0x4d: {  	v5 =	vperm.xlane v4, v0;
	_ =	sdelay $0x1  }
0x4e: {  	v4 =	vperm.xlane v4, v2;
	v5 =	vadd.s32 v1, v5;
	_ =	sdelay $0x1  }
0x4f: {  	v4 =	vadd.s32 v1, v4;
	_ =	sdelay $0x1  }
0x50: {  	s26 =	simm.s32 $0x4C00  }
0x51: {  	[tilespmem:s26], [sflag:$0x1] =	stream.indirect_vreg.gather [hbm4b:s3+s2], $0x80, v5, vm0, $0xb8;
	[tilespmem:$0x19C00] =	vst v63  }
0x52: {  	s29 =	simm.s32 $0x5400  }
0x53: {  	[tilespmem:s29], [sflag:$0x1] =	stream.indirect_vreg.gather [hbm4b:s3+s2], $0x80, v4, vm0, $0xb8;
	[tilespmem:$0x19C00] =	vst v63  }
0x54: {  	v4 =	vld [tilespmem:$0x40];
	_ =	sdelay $0x4  }
0x55: {  	v5 =	vshrl.u32 v4, $0x3  }
0x56: {  	v5 =	vmul.u32 $0x18, v5  }
0x57: {  	v4 =	vand.u32 $0x7, v4  }
0x58: {  	v4 =	vor.u32 v4, v5  }
0x59: {  	v5 =	vperm.xlane v4, v0;
	_ =	sdelay $0x1  }
0x5a: {  	v4 =	vperm.xlane v4, v2;
	v5 =	vadd.s32 v1, v5;
	_ =	sdelay $0x1  }
0x5b: {  	v4 =	vadd.s32 v1, v4;
	_ =	sdelay $0x1  }
0x5c: {  	s30 =	simm.s32 $0x5C00  }
0x5d: {  	[tilespmem:s30], [sflag:$0x1] =	stream.indirect_vreg.gather [hbm4b:s3+s2], $0x80, v5, vm0, $0xb8;
	[tilespmem:$0x19C00] =	vst v63  }
0x5e: {  	s31 =	simm.s32 $0x6400  }
0x5f: {  	[tilespmem:s31], [sflag:$0x1] =	stream.indirect_vreg.gather [hbm4b:s3+s2], $0x80, v4, vm0, $0xb8;
	[tilespmem:$0x19C00] =	vst v63  }
0x60: {  	v4 =	vld [tilespmem:$0x50];
	_ =	sdelay $0x4  }
0x61: {  	v5 =	vshrl.u32 v4, $0x3  }
0x62: {  	v5 =	vmul.u32 $0x18, v5  }
0x63: {  	v4 =	vand.u32 $0x7, v4  }
0x64: {  	v4 =	vor.u32 v4, v5  }
0x65: {  	v5 =	vperm.xlane v4, v0;
	_ =	sdelay $0x1  }
0x66: {  	v4 =	vperm.xlane v4, v2;
	v5 =	vadd.s32 v1, v5;
	_ =	sdelay $0x1  }
0x67: {  	v4 =	vadd.s32 v1, v4;
	_ =	sdelay $0x1  }
0x68: {  	s24 =	simm.s32 $0x6C00  }
0x69: {  	[tilespmem:s24], [sflag:$0x1] =	stream.indirect_vreg.gather [hbm4b:s3+s2], $0x80, v5, vm0, $0xb8;
	[tilespmem:$0x19C00] =	vst v63  }
0x6a: {  	s26 =	simm.s32 $0x7400  }
0x6b: {  	[tilespmem:s26], [sflag:$0x1] =	stream.indirect_vreg.gather [hbm4b:s3+s2], $0x80, v4, vm0, $0xb8;
	[tilespmem:$0x19C00] =	vst v63  }
0x6c: {  	v4 =	vld [tilespmem:$0x60];
	_ =	sdelay $0x4  }
0x6d: {  	v5 =	vshrl.u32 v4, $0x3  }
0x6e: {  	v5 =	vmul.u32 $0x18, v5  }
0x6f: {  	v4 =	vand.u32 $0x7, v4  }
0x70: {  	v4 =	vor.u32 v4, v5  }
0x71: {  	v5 =	vperm.xlane v4, v0;
	_ =	sdelay $0x1  }
0x72: {  	v4 =	vperm.xlane v4, v2;
	v5 =	vadd.s32 v1, v5;
	_ =	sdelay $0x1  }
0x73: {  	v4 =	vadd.s32 v1, v4;
	_ =	sdelay $0x1  }
0x74: {  	s29 =	simm.s32 $0x7C00  }
0x75: {  	[tilespmem:s29], [sflag:$0x1] =	stream.indirect_vreg.gather [hbm4b:s3+s2], $0x80, v5, vm0, $0xb8;
	[tilespmem:$0x19C00] =	vst v63  }
0x76: {  	s30 =	simm.s32 $0x8400  }
0x77: {  	[tilespmem:s30], [sflag:$0x1] =	stream.indirect_vreg.gather [hbm4b:s3+s2], $0x80, v4, vm0, $0xb8;
	[tilespmem:$0x19C00] =	vst v63  }
0x78: {  	v4 =	vld [tilespmem:$0x70];
	_ =	sdelay $0x4  }
0x79: {  	v5 =	vshrl.u32 v4, $0x3  }
0x7a: {  	v5 =	vmul.u32 $0x18, v5  }
0x7b: {  	v4 =	vand.u32 $0x7, v4  }
0x7c: {  	v4 =	vor.u32 v4, v5  }
0x7d: {  	v5 =	vperm.xlane v4, v0;
	_ =	sdelay $0x1  }
0x7e: {  	v4 =	vperm.xlane v4, v2;
	v5 =	vadd.s32 v1, v5;
	_ =	sdelay $0x1  }
0x7f: {  	v4 =	vadd.s32 v1, v4;
	_ =	sdelay $0x1  }
0x80: {  	s31 =	simm.s32 $0x8C00  }
0x81: {  	[tilespmem:s31], [sflag:$0x1] =	stream.indirect_vreg.gather [hbm4b:s3+s2], $0x80, v5, vm0, $0xb8;
	[tilespmem:$0x19C00] =	vst v63  }
0x82: {  	s24 =	simm.s32 $0x9400  }
0x83: {  	[tilespmem:s24], [sflag:$0x1] =	stream.indirect_vreg.gather [hbm4b:s3+s2], $0x80, v4, vm0, $0xb8;
	[tilespmem:$0x19C00] =	vst v63  }
0x84: {  	v4 =	vld [tilespmem:$0x0];
	_ =	sdelay $0x4  }
0x85: {  	v5 =	vshrl.u32 v4, $0x3  }
0x86: {  	v5 =	vmul.u32 $0x18, v5  }
0x87: {  	v4 =	vand.u32 $0x7, v4  }
0x88: {  	v4 =	vor.u32 v4, v5  }
0x89: {  	v5 =	vperm.xlane v4, v0;
	_ =	sdelay $0x1  }
0x8a: {  	v4 =	vperm.xlane v4, v2;
	v5 =	vadd.s32 v1, v5;
	_ =	sdelay $0x1  }
0x8b: {  	v4 =	vadd.s32 v1, v4;
	_ =	sdelay $0x1  }
0x8c: {  	s26 =	simm.s32 $0x2000  }
0x8d: {  	[tilespmem:s26], [sflag:$0x1] =	stream.indirect_vreg.gather [hbm4b:s6+s2], $0x80, v5, vm0, $0xb8;
	[tilespmem:$0x19C00] =	vst v63  }
0x8e: {  	s29 =	simm.s32 $0x2800  }
0x8f: {  	[tilespmem:s29], [sflag:$0x1] =	stream.indirect_vreg.gather [hbm4b:s6+s2], $0x80, v4, vm0, $0xb8;
	[tilespmem:$0x19C00] =	vst v63  }
0x90: {  	v4 =	vld [tilespmem:$0x10];
	_ =	sdelay $0x4  }
0x91: {  	v5 =	vshrl.u32 v4, $0x3  }
0x92: {  	v5 =	vmul.u32 $0x18, v5  }
0x93: {  	v4 =	vand.u32 $0x7, v4  }
0x94: {  	v4 =	vor.u32 v4, v5  }
0x95: {  	v5 =	vperm.xlane v4, v0;
	_ =	sdelay $0x1  }
0x96: {  	v4 =	vperm.xlane v4, v2;
	v5 =	vadd.s32 v1, v5;
	_ =	sdelay $0x1  }
0x97: {  	v4 =	vadd.s32 v1, v4;
	_ =	sdelay $0x1  }
0x98: {  	s30 =	simm.s32 $0x3000  }
0x99: {  	[tilespmem:s30], [sflag:$0x1] =	stream.indirect_vreg.gather [hbm4b:s6+s2], $0x80, v5, vm0, $0xb8;
	[tilespmem:$0x19C00] =	vst v63  }
0x9a: {  	s31 =	simm.s32 $0x3800  }
0x9b: {  	[tilespmem:s31], [sflag:$0x1] =	stream.indirect_vreg.gather [hbm4b:s6+s2], $0x80, v4, vm0, $0xb8;
	[tilespmem:$0x19C00] =	vst v63  }
0x9c: {  	v4 =	vld [tilespmem:$0x20];
	_ =	sdelay $0x4  }
0x9d: {  	v5 =	vshrl.u32 v4, $0x3  }
0x9e: {  	v5 =	vmul.u32 $0x18, v5  }
0x9f: {  	v4 =	vand.u32 $0x7, v4  }
0xa0: {  	v4 =	vor.u32 v4, v5  }
0xa1: {  	v5 =	vperm.xlane v4, v0;
	_ =	sdelay $0x1  }
0xa2: {  	v4 =	vperm.xlane v4, v2;
	v5 =	vadd.s32 v1, v5;
	_ =	sdelay $0x1  }
0xa3: {  	v4 =	vadd.s32 v1, v4;
	_ =	sdelay $0x1  }
0xa4: {  	s24 =	simm.s32 $0x4000  }
0xa5: {  	[tilespmem:s24], [sflag:$0x1] =	stream.indirect_vreg.gather [hbm4b:s6+s2], $0x80, v5, vm0, $0xb8;
	[tilespmem:$0x19C00] =	vst v63  }
0xa6: {  	s26 =	simm.s32 $0x4800  }
0xa7: {  	[tilespmem:s26], [sflag:$0x1] =	stream.indirect_vreg.gather [hbm4b:s6+s2], $0x80, v4, vm0, $0xb8;
	[tilespmem:$0x19C00] =	vst v63  }
0xa8: {  	v4 =	vld [tilespmem:$0x30];
	_ =	sdelay $0x4  }
0xa9: {  	v5 =	vshrl.u32 v4, $0x3  }
0xaa: {  	v5 =	vmul.u32 $0x18, v5  }
0xab: {  	v4 =	vand.u32 $0x7, v4  }
0xac: {  	v4 =	vor.u32 v4, v5  }
0xad: {  	v5 =	vperm.xlane v4, v0;
	_ =	sdelay $0x1  }
0xae: {  	v4 =	vperm.xlane v4, v2;
	v5 =	vadd.s32 v1, v5;
	_ =	sdelay $0x1  }
0xaf: {  	v4 =	vadd.s32 v1, v4;
	_ =	sdelay $0x1  }
0xb0: {  	s29 =	simm.s32 $0x5000  }
0xb1: {  	[tilespmem:s29], [sflag:$0x1] =	stream.indirect_vreg.gather [hbm4b:s6+s2], $0x80, v5, vm0, $0xb8;
	[tilespmem:$0x19C00] =	vst v63  }
0xb2: {  	s30 =	simm.s32 $0x5800  }
0xb3: {  	[tilespmem:s30], [sflag:$0x1] =	stream.indirect_vreg.gather [hbm4b:s6+s2], $0x80, v4, vm0, $0xb8;
	[tilespmem:$0x19C00] =	vst v63  }
0xb4: {  	v4 =	vld [tilespmem:$0x40];
	_ =	sdelay $0x4  }
0xb5: {  	v5 =	vshrl.u32 v4, $0x3  }
0xb6: {  	v5 =	vmul.u32 $0x18, v5  }
0xb7: {  	v4 =	vand.u32 $0x7, v4  }
0xb8: {  	v4 =	vor.u32 v4, v5  }
0xb9: {  	v5 =	vperm.xlane v4, v0;
	_ =	sdelay $0x1  }
0xba: {  	v4 =	vperm.xlane v4, v2;
	v5 =	vadd.s32 v1, v5;
	_ =	sdelay $0x1  }
0xbb: {  	v4 =	vadd.s32 v1, v4;
	_ =	sdelay $0x1  }
0xbc: {  	s31 =	simm.s32 $0x6000  }
0xbd: {  	[tilespmem:s31], [sflag:$0x1] =	stream.indirect_vreg.gather [hbm4b:s6+s2], $0x80, v5, vm0, $0xb8;
	[tilespmem:$0x19C00] =	vst v63  }
0xbe: {  	s24 =	simm.s32 $0x6800  }
0xbf: {  	[tilespmem:s24], [sflag:$0x1] =	stream.indirect_vreg.gather [hbm4b:s6+s2], $0x80, v4, vm0, $0xb8;
	[tilespmem:$0x19C00] =	vst v63  }
0xc0: {  	v4 =	vld [tilespmem:$0x50];
	_ =	sdelay $0x4  }
0xc1: {  	v5 =	vshrl.u32 v4, $0x3  }
0xc2: {  	v5 =	vmul.u32 $0x18, v5  }
0xc3: {  	v4 =	vand.u32 $0x7, v4  }
0xc4: {  	v4 =	vor.u32 v4, v5  }
0xc5: {  	v5 =	vperm.xlane v4, v0;
	_ =	sdelay $0x1  }
0xc6: {  	v4 =	vperm.xlane v4, v2;
	v5 =	vadd.s32 v1, v5;
	_ =	sdelay $0x1  }
0xc7: {  	v4 =	vadd.s32 v1, v4;
	_ =	sdelay $0x1  }
0xc8: {  	s26 =	simm.s32 $0x7000  }
0xc9: {  	[tilespmem:s26], [sflag:$0x1] =	stream.indirect_vreg.gather [hbm4b:s6+s2], $0x80, v5, vm0, $0xb8;
	[tilespmem:$0x19C00] =	vst v63  }
0xca: {  	s29 =	simm.s32 $0x7800  }
0xcb: {  	[tilespmem:s29], [sflag:$0x1] =	stream.indirect_vreg.gather [hbm4b:s6+s2], $0x80, v4, vm0, $0xb8;
	[tilespmem:$0x19C00] =	vst v63  }
0xcc: {  	v4 =	vld [tilespmem:$0x60];
	_ =	sdelay $0x4  }
0xcd: {  	v5 =	vshrl.u32 v4, $0x3  }
0xce: {  	v5 =	vmul.u32 $0x18, v5  }
0xcf: {  	v4 =	vand.u32 $0x7, v4  }
0xd0: {  	v4 =	vor.u32 v4, v5  }
0xd1: {  	v5 =	vperm.xlane v4, v0;
	_ =	sdelay $0x1  }
0xd2: {  	v4 =	vperm.xlane v4, v2;
	v5 =	vadd.s32 v1, v5;
	_ =	sdelay $0x1  }
0xd3: {  	v4 =	vadd.s32 v1, v4;
	_ =	sdelay $0x2  }
0xd4: {  	[tilespmem:s25], [sflag:$0x1] =	stream.indirect_vreg.gather [hbm4b:s6+s2], $0x80, v5, vm0, $0xb8;
	[tilespmem:$0x19C00] =	vst v63  }
0xd5: {  	s30 =	simm.s32 $0x8800  }
0xd6: {  	[tilespmem:s30], [sflag:$0x1] =	stream.indirect_vreg.gather [hbm4b:s6+s2], $0x80, v4, vm0, $0xb8;
	[tilespmem:$0x19C00] =	vst v63  }
0xd7: {  	v4 =	vld [tilespmem:$0x70];
	_ =	sdelay $0x4  }
0xd8: {  	v5 =	vshrl.u32 v4, $0x3  }
0xd9: {  	v5 =	vmul.u32 $0x18, v5  }
0xda: {  	v4 =	vand.u32 $0x7, v4  }
0xdb: {  	v4 =	vor.u32 v4, v5  }
0xdc: {  	v5 =	vperm.xlane v4, v0;
	_ =	sdelay $0x1  }
0xdd: {  	v4 =	vperm.xlane v4, v2;
	v5 =	vadd.s32 v1, v5;
	_ =	sdelay $0x1  }
0xde: {  	v4 =	vadd.s32 v1, v4;
	_ =	sdelay $0x1  }
0xdf: {  	s31 =	simm.s32 $0x9000  }
0xe0: {  	[tilespmem:s31], [sflag:$0x1] =	stream.indirect_vreg.gather [hbm4b:s6+s2], $0x80, v5, vm0, $0xb8;
	[tilespmem:$0x19C00] =	vst v63  }
0xe1: {  	s24 =	simm.s32 $0x9800  }
0xe2: {  	[tilespmem:s24], [sflag:$0x1] =	stream.indirect_vreg.gather [hbm4b:s6+s2], $0x80, v4, vm0, $0xb8;
	[tilespmem:$0x19C00] =	vst v63  }
0xe3: {  	v4 =	vld [tilespmem:$0x80];
	_ =	sdelay $0x4  }
0xe4: {  	v5 =	vshrl.u32 v4, $0x3  }
0xe5: {  	v5 =	vmul.u32 $0x18, v5  }
0xe6: {  	v4 =	vand.u32 $0x7, v4  }
0xe7: {  	v4 =	vor.u32 v4, v5  }
0xe8: {  	v5 =	vperm.xlane v4, v0;
	_ =	sdelay $0x1  }
0xe9: {  	v4 =	vperm.xlane v4, v2;
	v5 =	vadd.s32 v1, v5;
	_ =	sdelay $0x1  }
0xea: {  	v4 =	vadd.s32 v1, v4;
	_ =	sdelay $0x1  }
0xeb: {  	s25 =	simm.s32 $0x9C00  }
0xec: {  	[tilespmem:s25], [sflag:$0x2] =	stream.indirect_vreg.gather [hbm4b:s3+s2], $0x80, v5, vm0, $0xb8;
	[tilespmem:$0x19C00] =	vst v63  }
0xed: {  	s26 =	simm.s32 $0xA400  }
0xee: {  	[tilespmem:s26], [sflag:$0x2] =	stream.indirect_vreg.gather [hbm4b:s3+s2], $0x80, v4, vm0, $0xb8;
	[tilespmem:$0x19C00] =	vst v63  }
0xef: {  	v4 =	vld [tilespmem:$0x90];
	_ =	sdelay $0x4  }
0xf0: {  	v5 =	vshrl.u32 v4, $0x3  }
0xf1: {  	v5 =	vmul.u32 $0x18, v5  }
0xf2: {  	v4 =	vand.u32 $0x7, v4  }
0xf3: {  	v4 =	vor.u32 v4, v5  }
0xf4: {  	v5 =	vperm.xlane v4, v0;
	_ =	sdelay $0x1  }
0xf5: {  	v4 =	vperm.xlane v4, v2;
	v5 =	vadd.s32 v1, v5;
	_ =	sdelay $0x1  }
0xf6: {  	v4 =	vadd.s32 v1, v4;
	_ =	sdelay $0x1  }
0xf7: {  	s29 =	simm.s32 $0xAC00  }
0xf8: {  	[tilespmem:s29], [sflag:$0x2] =	stream.indirect_vreg.gather [hbm4b:s3+s2], $0x80, v5, vm0, $0xb8;
	[tilespmem:$0x19C00] =	vst v63  }
0xf9: {  	s30 =	simm.s32 $0xB400  }
0xfa: {  	[tilespmem:s30], [sflag:$0x2] =	stream.indirect_vreg.gather [hbm4b:s3+s2], $0x80, v4, vm0, $0xb8;
	[tilespmem:$0x19C00] =	vst v63  }
0xfb: {  	v4 =	vld [tilespmem:$0xA0];
	_ =	sdelay $0x4  }
0xfc: {  	v5 =	vshrl.u32 v4, $0x3  }
0xfd: {  	v5 =	vmul.u32 $0x18, v5  }
0xfe: {  	v4 =	vand.u32 $0x7, v4  }
0xff: {  	v4 =	vor.u32 v4, v5  }
0x100: {  	v5 =	vperm.xlane v4, v0;
	_ =	sdelay $0x1  }
0x101: {  	v4 =	vperm.xlane v4, v2;
	v5 =	vadd.s32 v1, v5;
	_ =	sdelay $0x1  }
0x102: {  	v4 =	vadd.s32 v1, v4;
	_ =	sdelay $0x1  }
0x103: {  	s31 =	simm.s32 $0xBC00  }
0x104: {  	[tilespmem:s31], [sflag:$0x2] =	stream.indirect_vreg.gather [hbm4b:s3+s2], $0x80, v5, vm0, $0xb8;
	[tilespmem:$0x19C00] =	vst v63  }
0x105: {  	s24 =	simm.s32 $0xC400  }
0x106: {  	[tilespmem:s24], [sflag:$0x2] =	stream.indirect_vreg.gather [hbm4b:s3+s2], $0x80, v4, vm0, $0xb8;
	[tilespmem:$0x19C00] =	vst v63  }
0x107: {  	v4 =	vld [tilespmem:$0xB0];
	_ =	sdelay $0x4  }
0x108: {  	v5 =	vshrl.u32 v4, $0x3  }
0x109: {  	v5 =	vmul.u32 $0x18, v5  }
0x10a: {  	v4 =	vand.u32 $0x7, v4  }
0x10b: {  	v4 =	vor.u32 v4, v5  }
0x10c: {  	v5 =	vperm.xlane v4, v0;
	_ =	sdelay $0x1  }
0x10d: {  	v4 =	vperm.xlane v4, v2;
	v5 =	vadd.s32 v1, v5;
	_ =	sdelay $0x1  }
0x10e: {  	v4 =	vadd.s32 v1, v4;
	_ =	sdelay $0x1  }
0x10f: {  	s25 =	simm.s32 $0xCC00  }
0x110: {  	[tilespmem:s25], [sflag:$0x2] =	stream.indirect_vreg.gather [hbm4b:s3+s2], $0x80, v5, vm0, $0xb8;
	[tilespmem:$0x19C00] =	vst v63  }
0x111: {  	s26 =	simm.s32 $0xD400  }
0x112: {  	[tilespmem:s26], [sflag:$0x2] =	stream.indirect_vreg.gather [hbm4b:s3+s2], $0x80, v4, vm0, $0xb8;
	[tilespmem:$0x19C00] =	vst v63  }
0x113: {  	v4 =	vld [tilespmem:$0xC0];
	_ =	sdelay $0x4  }
0x114: {  	v5 =	vshrl.u32 v4, $0x3  }
0x115: {  	v5 =	vmul.u32 $0x18, v5  }
0x116: {  	v4 =	vand.u32 $0x7, v4  }
0x117: {  	v4 =	vor.u32 v4, v5  }
0x118: {  	v5 =	vperm.xlane v4, v0;
	_ =	sdelay $0x1  }
0x119: {  	v4 =	vperm.xlane v4, v2;
	v5 =	vadd.s32 v1, v5;
	_ =	sdelay $0x1  }
0x11a: {  	v4 =	vadd.s32 v1, v4;
	_ =	sdelay $0x1  }
0x11b: {  	s29 =	simm.s32 $0xDC00  }
0x11c: {  	[tilespmem:s29], [sflag:$0x2] =	stream.indirect_vreg.gather [hbm4b:s3+s2], $0x80, v5, vm0, $0xb8;
	[tilespmem:$0x19C00] =	vst v63  }
0x11d: {  	s30 =	simm.s32 $0xE400  }
0x11e: {  	[tilespmem:s30], [sflag:$0x2] =	stream.indirect_vreg.gather [hbm4b:s3+s2], $0x80, v4, vm0, $0xb8;
	[tilespmem:$0x19C00] =	vst v63  }
0x11f: {  	v4 =	vld [tilespmem:$0xD0];
	_ =	sdelay $0x4  }
0x120: {  	v5 =	vshrl.u32 v4, $0x3  }
0x121: {  	v5 =	vmul.u32 $0x18, v5  }
0x122: {  	v4 =	vand.u32 $0x7, v4  }
0x123: {  	v4 =	vor.u32 v4, v5  }
0x124: {  	v5 =	vperm.xlane v4, v0;
	_ =	sdelay $0x1  }
0x125: {  	v4 =	vperm.xlane v4, v2;
	v5 =	vadd.s32 v1, v5;
	_ =	sdelay $0x1  }
0x126: {  	v4 =	vadd.s32 v1, v4;
	_ =	sdelay $0x1  }
0x127: {  	s31 =	simm.s32 $0xEC00  }
0x128: {  	[tilespmem:s31], [sflag:$0x2] =	stream.indirect_vreg.gather [hbm4b:s3+s2], $0x80, v5, vm0, $0xb8;
	[tilespmem:$0x19C00] =	vst v63  }
0x129: {  	s24 =	simm.s32 $0xF400  }
0x12a: {  	[tilespmem:s24], [sflag:$0x2] =	stream.indirect_vreg.gather [hbm4b:s3+s2], $0x80, v4, vm0, $0xb8;
	[tilespmem:$0x19C00] =	vst v63  }
0x12b: {  	v4 =	vld [tilespmem:$0xE0];
	_ =	sdelay $0x4  }
0x12c: {  	v5 =	vshrl.u32 v4, $0x3  }
0x12d: {  	v5 =	vmul.u32 $0x18, v5  }
0x12e: {  	v4 =	vand.u32 $0x7, v4  }
0x12f: {  	v4 =	vor.u32 v4, v5  }
0x130: {  	v5 =	vperm.xlane v4, v0;
	_ =	sdelay $0x1  }
0x131: {  	v4 =	vperm.xlane v4, v2;
	v5 =	vadd.s32 v1, v5;
	_ =	sdelay $0x1  }
0x132: {  	v4 =	vadd.s32 v1, v4;
	_ =	sdelay $0x1  }
0x133: {  	s25 =	simm.s32 $0xFC00  }
0x134: {  	[tilespmem:s25], [sflag:$0x2] =	stream.indirect_vreg.gather [hbm4b:s3+s2], $0x80, v5, vm0, $0xb8;
	[tilespmem:$0x19C00] =	vst v63  }
0x135: {  	s26 =	simm.s32 $0x10400  }
0x136: {  	[tilespmem:s26], [sflag:$0x2] =	stream.indirect_vreg.gather [hbm4b:s3+s2], $0x80, v4, vm0, $0xb8;
	[tilespmem:$0x19C00] =	vst v63  }
0x137: {  	v4 =	vld [tilespmem:$0xF0];
	_ =	sdelay $0x4  }
0x138: {  	v5 =	vshrl.u32 v4, $0x3  }
0x139: {  	v5 =	vmul.u32 $0x18, v5  }
0x13a: {  	v4 =	vand.u32 $0x7, v4  }
0x13b: {  	v4 =	vor.u32 v4, v5  }
0x13c: {  	v5 =	vperm.xlane v4, v0;
	_ =	sdelay $0x1  }
0x13d: {  	v4 =	vperm.xlane v4, v2;
	v5 =	vadd.s32 v1, v5;
	_ =	sdelay $0x1  }
0x13e: {  	v4 =	vadd.s32 v1, v4;
	_ =	sdelay $0x2  }
0x13f: {  	[tilespmem:s0], [sflag:$0x2] =	stream.indirect_vreg.gather [hbm4b:s3+s2], $0x80, v5, vm0, $0xb8;
	[tilespmem:$0x19C00] =	vst v63  }
0x140: {  	_ = 	snop  }
0x141: {  	[tilespmem:s1], [sflag:$0x2] =	stream.indirect_vreg.gather [hbm4b:s3+s2], $0x80, v4, vm0, $0xb8;
	[tilespmem:$0x19C00] =	vst v63  }
0x142: {  	v4 =	vld [tilespmem:$0x80];
	_ =	sdelay $0x4  }
0x143: {  	v5 =	vshrl.u32 v4, $0x3  }
0x144: {  	v5 =	vmul.u32 $0x18, v5  }
0x145: {  	v4 =	vand.u32 $0x7, v4  }
0x146: {  	v4 =	vor.u32 v4, v5  }
0x147: {  	v5 =	vperm.xlane v4, v0;
	_ =	sdelay $0x1  }
0x148: {  	v4 =	vperm.xlane v4, v2;
	v5 =	vadd.s32 v1, v5;
	_ =	sdelay $0x1  }
0x149: {  	v4 =	vadd.s32 v1, v4;
	_ =	sdelay $0x2  }
0x14a: {  	[tilespmem:s9], [sflag:$0x2] =	stream.indirect_vreg.gather [hbm4b:s6+s2], $0x80, v5, vm0, $0xb8;
	[tilespmem:$0x19C00] =	vst v63  }
0x14b: {  	_ = 	snop  }
0x14c: {  	[tilespmem:s11], [sflag:$0x2] =	stream.indirect_vreg.gather [hbm4b:s6+s2], $0x80, v4, vm0, $0xb8;
	[tilespmem:$0x19C00] =	vst v63  }
0x14d: {  	v4 =	vld [tilespmem:$0x90];
	_ =	sdelay $0x4  }
0x14e: {  	v5 =	vshrl.u32 v4, $0x3  }
0x14f: {  	v5 =	vmul.u32 $0x18, v5  }
0x150: {  	v4 =	vand.u32 $0x7, v4  }
0x151: {  	v4 =	vor.u32 v4, v5  }
0x152: {  	v5 =	vperm.xlane v4, v0;
	_ =	sdelay $0x1  }
0x153: {  	v4 =	vperm.xlane v4, v2;
	v5 =	vadd.s32 v1, v5;
	_ =	sdelay $0x1  }
0x154: {  	v4 =	vadd.s32 v1, v4;
	_ =	sdelay $0x2  }
0x155: {  	[tilespmem:s5], [sflag:$0x2] =	stream.indirect_vreg.gather [hbm4b:s6+s2], $0x80, v5, vm0, $0xb8;
	[tilespmem:$0x19C00] =	vst v63  }
0x156: {  	_ = 	snop  }
0x157: {  	[tilespmem:s7], [sflag:$0x2] =	stream.indirect_vreg.gather [hbm4b:s6+s2], $0x80, v4, vm0, $0xb8;
	[tilespmem:$0x19C00] =	vst v63  }
0x158: {  	v4 =	vld [tilespmem:$0xA0];
	_ =	sdelay $0x4  }
0x159: {  	v5 =	vshrl.u32 v4, $0x3  }
0x15a: {  	v5 =	vmul.u32 $0x18, v5  }
0x15b: {  	v4 =	vand.u32 $0x7, v4  }
0x15c: {  	v4 =	vor.u32 v4, v5  }
0x15d: {  	v5 =	vperm.xlane v4, v0;
	_ =	sdelay $0x1  }
0x15e: {  	v4 =	vperm.xlane v4, v2;
	v5 =	vadd.s32 v1, v5;
	_ =	sdelay $0x1  }
0x15f: {  	v4 =	vadd.s32 v1, v4;
	_ =	sdelay $0x2  }
0x160: {  	[tilespmem:s8], [sflag:$0x2] =	stream.indirect_vreg.gather [hbm4b:s6+s2], $0x80, v5, vm0, $0xb8;
	[tilespmem:$0x19C00] =	vst v63  }
0x161: {  	_ = 	snop  }
0x162: {  	[tilespmem:s4], [sflag:$0x2] =	stream.indirect_vreg.gather [hbm4b:s6+s2], $0x80, v4, vm0, $0xb8;
	[tilespmem:$0x19C00] =	vst v63  }
0x163: {  	v4 =	vld [tilespmem:$0xB0];
	_ =	sdelay $0x4  }
0x164: {  	v5 =	vshrl.u32 v4, $0x3  }
0x165: {  	v5 =	vmul.u32 $0x18, v5  }
0x166: {  	v4 =	vand.u32 $0x7, v4  }
0x167: {  	v4 =	vor.u32 v4, v5  }
0x168: {  	v5 =	vperm.xlane v4, v0;
	_ =	sdelay $0x1  }
0x169: {  	v4 =	vperm.xlane v4, v2;
	v5 =	vadd.s32 v1, v5;
	_ =	sdelay $0x1  }
0x16a: {  	v4 =	vadd.s32 v1, v4;
	_ =	sdelay $0x2  }
0x16b: {  	[tilespmem:s12], [sflag:$0x2] =	stream.indirect_vreg.gather [hbm4b:s6+s2], $0x80, v5, vm0, $0xb8;
	[tilespmem:$0x19C00] =	vst v63  }
0x16c: {  	_ = 	snop  }
0x16d: {  	[tilespmem:s13], [sflag:$0x2] =	stream.indirect_vreg.gather [hbm4b:s6+s2], $0x80, v4, vm0, $0xb8;
	[tilespmem:$0x19C00] =	vst v63  }
0x16e: {  	v4 =	vld [tilespmem:$0xC0];
	_ =	sdelay $0x4  }
0x16f: {  	v5 =	vshrl.u32 v4, $0x3  }
0x170: {  	v5 =	vmul.u32 $0x18, v5  }
0x171: {  	v4 =	vand.u32 $0x7, v4  }
0x172: {  	v4 =	vor.u32 v4, v5  }
0x173: {  	v5 =	vperm.xlane v4, v0;
	_ =	sdelay $0x1  }
0x174: {  	v4 =	vperm.xlane v4, v2;
	v5 =	vadd.s32 v1, v5;
	_ =	sdelay $0x1  }
0x175: {  	v4 =	vadd.s32 v1, v4;
	_ =	sdelay $0x2  }
0x176: {  	[tilespmem:s14], [sflag:$0x2] =	stream.indirect_vreg.gather [hbm4b:s6+s2], $0x80, v5, vm0, $0xb8;
	[tilespmem:$0x19C00] =	vst v63  }
0x177: {  	_ = 	snop  }
0x178: {  	[tilespmem:s15], [sflag:$0x2] =	stream.indirect_vreg.gather [hbm4b:s6+s2], $0x80, v4, vm0, $0xb8;
	[tilespmem:$0x19C00] =	vst v63  }
0x179: {  	v4 =	vld [tilespmem:$0xD0];
	_ =	sdelay $0x4  }
0x17a: {  	v5 =	vshrl.u32 v4, $0x3  }
0x17b: {  	v5 =	vmul.u32 $0x18, v5  }
0x17c: {  	v4 =	vand.u32 $0x7, v4  }
0x17d: {  	v4 =	vor.u32 v4, v5  }
0x17e: {  	v5 =	vperm.xlane v4, v0;
	_ =	sdelay $0x1  }
0x17f: {  	v4 =	vperm.xlane v4, v2;
	v5 =	vadd.s32 v1, v5;
	_ =	sdelay $0x1  }
0x180: {  	v4 =	vadd.s32 v1, v4;
	_ =	sdelay $0x2  }
0x181: {  	[tilespmem:s16], [sflag:$0x2] =	stream.indirect_vreg.gather [hbm4b:s6+s2], $0x80, v5, vm0, $0xb8;
	[tilespmem:$0x19C00] =	vst v63  }
0x182: {  	_ = 	snop  }
0x183: {  	[tilespmem:s10], [sflag:$0x2] =	stream.indirect_vreg.gather [hbm4b:s6+s2], $0x80, v4, vm0, $0xb8;
	[tilespmem:$0x19C00] =	vst v63  }
0x184: {  	v4 =	vld [tilespmem:$0xE0];
	_ =	sdelay $0x4  }
0x185: {  	v5 =	vshrl.u32 v4, $0x3  }
0x186: {  	v5 =	vmul.u32 $0x18, v5  }
0x187: {  	v4 =	vand.u32 $0x7, v4  }
0x188: {  	v4 =	vor.u32 v4, v5  }
0x189: {  	v5 =	vperm.xlane v4, v0;
	_ =	sdelay $0x1  }
0x18a: {  	v4 =	vperm.xlane v4, v2;
	v5 =	vadd.s32 v1, v5;
	_ =	sdelay $0x1  }
0x18b: {  	v4 =	vadd.s32 v1, v4;
	_ =	sdelay $0x2  }
0x18c: {  	[tilespmem:s17], [sflag:$0x2] =	stream.indirect_vreg.gather [hbm4b:s6+s2], $0x80, v5, vm0, $0xb8;
	[tilespmem:$0x19C00] =	vst v63  }
0x18d: {  	_ = 	snop  }
0x18e: {  	[tilespmem:s18], [sflag:$0x2] =	stream.indirect_vreg.gather [hbm4b:s6+s2], $0x80, v4, vm0, $0xb8;
	[tilespmem:$0x19C00] =	vst v63  }
0x18f: {  	v4 =	vld [tilespmem:$0xF0];
	_ =	sdelay $0x4  }
0x190: {  	v5 =	vshrl.u32 v4, $0x3  }
0x191: {  	v5 =	vmul.u32 $0x18, v5  }
0x192: {  	v4 =	vand.u32 $0x7, v4  }
0x193: {  	v4 =	vor.u32 v4, v5  }
0x194: {  	v5 =	vperm.xlane v4, v0;
	_ =	sdelay $0x1  }
0x195: {  	v4 =	vperm.xlane v4, v2;
	v5 =	vadd.s32 v1, v5;
	_ =	sdelay $0x1  }
0x196: {  	v4 =	vadd.s32 v1, v4;
	_ =	sdelay $0x1  }
0x197: {  	s29 =	sand.u32 $0x7800, s2;
	s30 =	sand.u32 $0x380, s2  }
0x198: {  	[tilespmem:s19], [sflag:$0x2] =	stream.indirect_vreg.gather [hbm4b:s6+s2], $0x80, v5, vm0, $0xb8;
	[tilespmem:$0x19C00] =	vst v63  }
0x199: {  	s24 =	sor.u32 s30, s29  }
0x19a: {  	[tilespmem:s20], [sflag:$0x2] =	stream.indirect_vreg.gather [hbm4b:s6+s2], $0x80, v4, vm0, $0xb8;
	[tilespmem:$0x19C00] =	vst v63  }
0x19b: {  	s23 =	sadd.s32 $0x11C00, s24;
	[tilespmem:s24+$0x11C00] =	vst v3  }
0x19c: {  	[tilespmem:s23+$0x40] =	vst v3  }
0x19d: {  	[tilespmem:s23+$0x50] =	vst v3  }
0x19e: {  	[tilespmem:s23+$0x60] =	vst v3  }
0x19f: {  	[tilespmem:s23+$0x70] =	vst v3  }
0x1a0: {  	[tilespmem:s23+$0x400] =	vst v3  }
0x1a1: {  	[tilespmem:s23+$0x410] =	vst v3  }
0x1a2: {  	[tilespmem:s23+$0x420] =	vst v3  }
0x1a3: {  	[tilespmem:s23+$0x430] =	vst v3  }
0x1a4: {  	[tilespmem:s23+$0x440] =	vst v3  }
0x1a5: {  	[tilespmem:s23+$0x450] =	vst v3  }
0x1a6: {  	[tilespmem:s23+$0x460] =	vst v3  }
0x1a7: {  	[tilespmem:s23+$0x10] =	vst v3  }
0x1a8: {  	s31 =	simm.s32 $0x100;
	s24 =	simm.s32 $0x80;
	[tilespmem:s23+$0x20] =	vst v3  }
0x1a9: {  	s25 =	simm.s32 $0x200;
	s26 =	sand.u32 $0x7800, s31;
	[tilespmem:s23+$0x30] =	vst v3;
	s28 =	sand.u32 $0x380, s24  }
.LBB2_2:
0x1aa: {  	p0 =	sne.s32 s25, $0x7F00;
	s26 =	sor.u32 s28, s26;
	[tilespmem:s23+$0x470] =	vst v3  }
0x1ab: {  	s23 =	sadd.s32 $0x11C00, s26;
	[tilespmem:s26+$0x11C00] =	vst v3  }
0x1ac: {  	[tilespmem:s23+$0x10] =	vst v3  }
0x1ad: {  	[tilespmem:s23+$0x20] =	vst v3  }
0x1ae: {  	[tilespmem:s23+$0x30] =	vst v3  }
0x1af: {  	[tilespmem:s23+$0x40] =	vst v3  }
0x1b0: {  	[tilespmem:s23+$0x50] =	vst v3  }
0x1b1: {  	[tilespmem:s23+$0x60] =	vst v3  }
0x1b2: {  	[tilespmem:s23+$0x70] =	vst v3  }
0x1b3: {  	[tilespmem:s23+$0x400] =	vst v3  }
0x1b4: {  	[tilespmem:s23+$0x410] =	vst v3  }
.Ltmp2:
0x1b5: {  	[tilespmem:s23+$0x420] =	vst v3;
	(pc) =	sbr.rel @p0 .LBB2_2-.Ltmp2, $4  }
0x1b6: {  	[tilespmem:s23+$0x430] =	vst v3  }
0x1b7: {  	[tilespmem:s23+$0x440] =	vst v3  }
0x1b8: {  	s24 =	sadd.s32 $0x80, s24;
	[tilespmem:s23+$0x450] =	vst v3  }
0x1b9: {  	s26 =	sand.u32 $0x7800, s25;
	s28 =	sand.u32 $0x380, s24;
	s25 =	sadd.s32 $0x100, s25;
	[tilespmem:s23+$0x460] =	vst v3  }
0x1ba: {  	s24 =	sor.u32 s28, s26;
	[tilespmem:s23+$0x470] =	vst v3  }
0x1bb: {  	s25 =	sadd.s32 $0x11C00, s24;
	[tilespmem:s24+$0x11C00] =	vst v3  }
0x1bc: {  	[tilespmem:s25+$0x10] =	vst v3  }
0x1bd: {  	[tilespmem:s25+$0x20] =	vst v3  }
0x1be: {  	[tilespmem:s25+$0x30] =	vst v3  }
0x1bf: {  	[tilespmem:s25+$0x40] =	vst v3  }
0x1c0: {  	[tilespmem:s25+$0x50] =	vst v3  }
0x1c1: {  	[tilespmem:s25+$0x60] =	vst v3  }
0x1c2: {  	[tilespmem:s25+$0x70] =	vst v3  }
0x1c3: {  	[tilespmem:s25+$0x400] =	vst v3  }
0x1c4: {  	[tilespmem:s25+$0x410] =	vst v3  }
0x1c5: {  	[tilespmem:s25+$0x420] =	vst v3  }
0x1c6: {  	[tilespmem:s25+$0x430] =	vst v3  }
0x1c7: {  	[tilespmem:s25+$0x440] =	vst v3  }
0x1c8: {  	[tilespmem:s25+$0x450] =	vst v3  }
0x1c9: {  	[tilespmem:s25+$0x460] =	vst v3  }
0x1ca: {  	s23 =	simm.s32 $0x0;
	s24 =	simm.s32 $0x0;
	[tilespmem:s25+$0x470] =	vst v3  }
.LBB2_4:
0x1cb: {  	_ =	swait.ge [sflag:s21], $0x4000;
	p1 =	por $0x1, $0x1  }
.Ltmp3:
0x1cc: {  	[sflag:s21] =	ssyncset.done $0x0;
	(pc) =	sbr.rel @!p1 .LBB2_5-.Ltmp3, $4  }
0x1cd: {  	[sflag:s21] =	ssyncadd.s32 $0xFFFFC000  }
0x1ce: {  	_ =	swait.ge [sflag:s21], $0x4000  }
0x1cf: {  	s29 =	sand.u32 $0x7800, s23;
	s30 =	sand.u32 $0x380, s23;
	[sflag:s21] =	ssyncset.done $0x0  }
0x1d0: {  	s28 =	simm.s32 $0x100;
	p0 =	por $0x0, $0x0;
	[sflag:s21] =	ssyncadd.s32 $0xFFFFC000  }
0x1d1: {  	s25 =	sor.u32 s30, s29  }
0x1d2: {  	v4 =	vld [tilespmem:s25+$0x2070]  }
0x1d3: {  	v5 =	vld [tilespmem:s25+$0x1C00]  }
0x1d4: {  	v6 =	vld [tilespmem:s25+$0x1C10]  }
0x1d5: {  	v7 =	vld [tilespmem:s25+$0x1C20]  }
0x1d6: {  	v8 =	vld [tilespmem:s25+$0x1C30]  }
0x1d7: {  	v9 =	vld [tilespmem:s25+$0x1C40]  }
0x1d8: {  	v10 =	vld [tilespmem:s25+$0x1C50]  }
0x1d9: {  	v11 =	vld [tilespmem:s25+$0x1C60]  }
0x1da: {  	v12 =	vld [tilespmem:s25+$0x1C70]  }
0x1db: {  	v13 =	vld [tilespmem:s25+$0x2000]  }
0x1dc: {  	v14 =	vld [tilespmem:s25+$0x2010]  }
0x1dd: {  	v15 =	vld [tilespmem:s25+$0x2020]  }
0x1de: {  	v16 =	vld [tilespmem:s25+$0x2030]  }
0x1df: {  	v17 =	vld [tilespmem:s25+$0x2040]  }
0x1e0: {  	v18 =	vld [tilespmem:s25+$0x2050]  }
0x1e1: {  	[tilespmem:s25+$0x12070] =	vst.add.f32.msk $0xffff, v4  }
0x1e2: {  	v4 =	vld [tilespmem:s25+$0x2060]  }
0x1e3: {  	[tilespmem:s25+$0x11C00] =	vst.add.f32.msk $0xffff, v5  }
0x1e4: {  	[tilespmem:s25+$0x11C10] =	vst.add.f32.msk $0xffff, v6  }
0x1e5: {  	[tilespmem:s25+$0x11C20] =	vst.add.f32.msk $0xffff, v7  }
0x1e6: {  	[tilespmem:s25+$0x11C30] =	vst.add.f32.msk $0xffff, v8  }
0x1e7: {  	[tilespmem:s25+$0x11C40] =	vst.add.f32.msk $0xffff, v9  }
0x1e8: {  	[tilespmem:s25+$0x11C50] =	vst.add.f32.msk $0xffff, v10  }
0x1e9: {  	[tilespmem:s25+$0x11C60] =	vst.add.f32.msk $0xffff, v11  }
0x1ea: {  	[tilespmem:s25+$0x11C70] =	vst.add.f32.msk $0xffff, v12  }
0x1eb: {  	p1 =	por $0x1, $0x1;
	[tilespmem:s25+$0x12000] =	vst.add.f32.msk $0xffff, v13  }
.Ltmp4:
0x1ec: {  	[tilespmem:s25+$0x12010] =	vst.add.f32.msk $0xffff, v14;
	(pc) =	sbr.rel @!p1 .LBB2_8-.Ltmp4, $4  }
0x1ed: {  	[tilespmem:s25+$0x12020] =	vst.add.f32.msk $0xffff, v15  }
0x1ee: {  	[tilespmem:s25+$0x12030] =	vst.add.f32.msk $0xffff, v16  }
0x1ef: {  	s26 =	simm.s32 $0x80;
	s29 =	sand.u32 $0x7800, s28;
	[tilespmem:s25+$0x12040] =	vst.add.f32.msk $0xffff, v17  }
0x1f0: {  	s28 =	simm.s32 $0x200;
	p0 =	por $0x1, $0x1;
	s30 =	sand.u32 $0x380, s26;
	[tilespmem:s25+$0x12050] =	vst.add.f32.msk $0xffff, v18  }
.LBB2_7:
0x1f1: {  	p1 =	sne.s32 s28, $0x7F00;
	[tilespmem:s25+$0x12060] =	vst.add.f32.msk $0xffff, v4;
	s25 =	sor.u32 s30, s29  }
0x1f2: {  	v4 =	vld [tilespmem:s25+$0x2070]  }
0x1f3: {  	v5 =	vld [tilespmem:s25+$0x1C00]  }
0x1f4: {  	v6 =	vld [tilespmem:s25+$0x1C10]  }
0x1f5: {  	v7 =	vld [tilespmem:s25+$0x1C20]  }
0x1f6: {  	v8 =	vld [tilespmem:s25+$0x1C30]  }
0x1f7: {  	[tilespmem:s25+$0x12070] =	vst.add.f32.msk $0xffff, v4  }
0x1f8: {  	v9 =	vld [tilespmem:s25+$0x1C40]  }
0x1f9: {  	v10 =	vld [tilespmem:s25+$0x1C50]  }
0x1fa: {  	v11 =	vld [tilespmem:s25+$0x1C60]  }
0x1fb: {  	v12 =	vld [tilespmem:s25+$0x1C70]  }
0x1fc: {  	v13 =	vld [tilespmem:s25+$0x2000]  }
0x1fd: {  	v14 =	vld [tilespmem:s25+$0x2010]  }
0x1fe: {  	v15 =	vld [tilespmem:s25+$0x2020]  }
0x1ff: {  	v16 =	vld [tilespmem:s25+$0x2030]  }
0x200: {  	v17 =	vld [tilespmem:s25+$0x2040]  }
0x201: {  	v18 =	vld [tilespmem:s25+$0x2050]  }
0x202: {  	v4 =	vld [tilespmem:s25+$0x2060]  }
0x203: {  	[tilespmem:s25+$0x11C00] =	vst.add.f32.msk $0xffff, v5  }
0x204: {  	[tilespmem:s25+$0x11C10] =	vst.add.f32.msk $0xffff, v6  }
0x205: {  	[tilespmem:s25+$0x11C20] =	vst.add.f32.msk $0xffff, v7  }
0x206: {  	[tilespmem:s25+$0x11C30] =	vst.add.f32.msk $0xffff, v8  }
0x207: {  	[tilespmem:s25+$0x11C40] =	vst.add.f32.msk $0xffff, v9  }
0x208: {  	[tilespmem:s25+$0x11C50] =	vst.add.f32.msk $0xffff, v10  }
0x209: {  	[tilespmem:s25+$0x11C60] =	vst.add.f32.msk $0xffff, v11  }
0x20a: {  	[tilespmem:s25+$0x11C70] =	vst.add.f32.msk $0xffff, v12  }
0x20b: {  	[tilespmem:s25+$0x12000] =	vst.add.f32.msk $0xffff, v13  }
.Ltmp5:
0x20c: {  	[tilespmem:s25+$0x12010] =	vst.add.f32.msk $0xffff, v14;
	(pc) =	sbr.rel @p1 .LBB2_7-.Ltmp5, $4  }
0x20d: {  	[tilespmem:s25+$0x12020] =	vst.add.f32.msk $0xffff, v15  }
0x20e: {  	[tilespmem:s25+$0x12030] =	vst.add.f32.msk $0xffff, v16  }
0x20f: {  	s26 =	sadd.s32 $0x80, s26;
	[tilespmem:s25+$0x12040] =	vst.add.f32.msk $0xffff, v17  }
0x210: {  	s29 =	sand.u32 $0x7800, s28;
	s28 =	sadd.s32 $0x100, s28;
	s30 =	sand.u32 $0x380, s26;
	[tilespmem:s25+$0x12050] =	vst.add.f32.msk $0xffff, v18  }
.LBB2_8:
0x211: {  	s26 =	sor.u32 s30, s29;
	[tilespmem:s25+$0x12060] =	vst.add.f32.msk @p0 $0xffff, v4  }
0x212: {  	v4 =	vld [tilespmem:s26+$0x2070]  }
0x213: {  	v5 =	vld [tilespmem:s26+$0x1C00]  }
0x214: {  	v6 =	vld [tilespmem:s26+$0x1C10]  }
0x215: {  	v7 =	vld [tilespmem:s26+$0x1C20]  }
0x216: {  	v8 =	vld [tilespmem:s26+$0x1C30]  }
0x217: {  	v9 =	vld [tilespmem:s26+$0x1C50]  }
0x218: {  	v10 =	vld [tilespmem:s26+$0x1C60]  }
0x219: {  	v11 =	vld [tilespmem:s26+$0x1C70]  }
0x21a: {  	v12 =	vld [tilespmem:s26+$0x2000]  }
0x21b: {  	v13 =	vld [tilespmem:s26+$0x2010]  }
0x21c: {  	v14 =	vld [tilespmem:s26+$0x2020]  }
0x21d: {  	v15 =	vld [tilespmem:s26+$0x2030]  }
0x21e: {  	v16 =	vld [tilespmem:s26+$0x2040]  }
0x21f: {  	v17 =	vld [tilespmem:s26+$0x2050]  }
0x220: {  	v18 =	vld [tilespmem:s26+$0x2060]  }
0x221: {  	[tilespmem:s26+$0x12070] =	vst.add.f32.msk $0xffff, v4  }
0x222: {  	v4 =	vld [tilespmem:s26+$0x1C40]  }
0x223: {  	[tilespmem:s26+$0x11C00] =	vst.add.f32.msk $0xffff, v5  }
0x224: {  	[tilespmem:s26+$0x11C10] =	vst.add.f32.msk $0xffff, v6  }
0x225: {  	[tilespmem:s26+$0x11C20] =	vst.add.f32.msk $0xffff, v7  }
0x226: {  	[tilespmem:s26+$0x11C30] =	vst.add.f32.msk $0xffff, v8  }
0x227: {  	[tilespmem:s26+$0x11C50] =	vst.add.f32.msk $0xffff, v9  }
0x228: {  	[tilespmem:s26+$0x11C60] =	vst.add.f32.msk $0xffff, v10  }
0x229: {  	[tilespmem:s26+$0x11C70] =	vst.add.f32.msk $0xffff, v11  }
0x22a: {  	[tilespmem:s26+$0x12000] =	vst.add.f32.msk $0xffff, v12  }
0x22b: {  	[tilespmem:s26+$0x12010] =	vst.add.f32.msk $0xffff, v13  }
0x22c: {  	p0 =	seq.s32 s24, $0x18;
	[tilespmem:s26+$0x12020] =	vst.add.f32.msk $0xffff, v14  }
.Ltmp6:
0x22d: {  	[tilespmem:s26+$0x12030] =	vst.add.f32.msk $0xffff, v15;
	(pc) =	sbr.rel @p0 .LBB2_10-.Ltmp6, $4  }
0x22e: {  	[tilespmem:s26+$0x12040] =	vst.add.f32.msk $0xffff, v16  }
0x22f: {  	[tilespmem:s26+$0x12050] =	vst.add.f32.msk $0xffff, v17  }
0x230: {  	[tilespmem:s26+$0x12060] =	vst.add.f32.msk $0xffff, v18  }
0x231: {  	s25 =	sshll.u32 s24, $0xA;
	[tilespmem:s26+$0x11C40] =	vst.add.f32.msk $0xffff, v4  }
0x232: {  	s26 =	sshrl.u32 s25, $0x2  }
0x233: {  	v4 =	vld [tilespmem:s26+$0x100];
	_ =	sdelay $0x4  }
0x234: {  	v5 =	vshrl.u32 v4, $0x3  }
0x235: {  	v5 =	vmul.u32 $0x18, v5  }
0x236: {  	v4 =	vand.u32 $0x7, v4  }
0x237: {  	v4 =	vor.u32 v4, v5  }
0x238: {  	v5 =	vperm.xlane v4, v0;
	_ =	sdelay $0x1  }
0x239: {  	v4 =	vperm.xlane v4, v2;
	v5 =	vadd.s32 v1, v5;
	_ =	sdelay $0x1  }
0x23a: {  	v4 =	vadd.s32 v1, v4;
	_ =	sdelay $0x1  }
0x23b: {  	s28 =	simm.s32 $0x1C00  }
0x23c: {  	[tilespmem:s28], [sflag:$0x1] =	stream.indirect_vreg.gather [hbm4b:s3+s2], $0x80, v5, vm0, $0xb8;
	[tilespmem:$0x19C00] =	vst v63  }
0x23d: {  	s31 =	simm.s32 $0x2400  }
0x23e: {  	[tilespmem:s31], [sflag:$0x1] =	stream.indirect_vreg.gather [hbm4b:s3+s2], $0x80, v4, vm0, $0xb8;
	[tilespmem:$0x19C00] =	vst v63  }
0x23f: {  	v4 =	vld [tilespmem:s26+$0x110];
	_ =	sdelay $0x4  }
0x240: {  	v5 =	vshrl.u32 v4, $0x3  }
0x241: {  	v5 =	vmul.u32 $0x18, v5  }
0x242: {  	v4 =	vand.u32 $0x7, v4  }
0x243: {  	v4 =	vor.u32 v4, v5  }
0x244: {  	v5 =	vperm.xlane v4, v0;
	_ =	sdelay $0x1  }
0x245: {  	v4 =	vperm.xlane v4, v2;
	v5 =	vadd.s32 v1, v5;
	_ =	sdelay $0x1  }
0x246: {  	v4 =	vadd.s32 v1, v4;
	_ =	sdelay $0x1  }
0x247: {  	s29 =	simm.s32 $0x2C00  }
0x248: {  	[tilespmem:s29], [sflag:$0x1] =	stream.indirect_vreg.gather [hbm4b:s3+s2], $0x80, v5, vm0, $0xb8;
	[tilespmem:$0x19C00] =	vst v63  }
0x249: {  	s30 =	simm.s32 $0x3400  }
0x24a: {  	[tilespmem:s30], [sflag:$0x1] =	stream.indirect_vreg.gather [hbm4b:s3+s2], $0x80, v4, vm0, $0xb8;
	[tilespmem:$0x19C00] =	vst v63  }
0x24b: {  	v4 =	vld [tilespmem:s26+$0x120];
	_ =	sdelay $0x4  }
0x24c: {  	v5 =	vshrl.u32 v4, $0x3  }
0x24d: {  	v5 =	vmul.u32 $0x18, v5  }
0x24e: {  	v4 =	vand.u32 $0x7, v4  }
0x24f: {  	v4 =	vor.u32 v4, v5  }
0x250: {  	v5 =	vperm.xlane v4, v0;
	_ =	sdelay $0x1  }
0x251: {  	v4 =	vperm.xlane v4, v2;
	v5 =	vadd.s32 v1, v5;
	_ =	sdelay $0x1  }
0x252: {  	v4 =	vadd.s32 v1, v4;
	_ =	sdelay $0x1  }
0x253: {  	s31 =	simm.s32 $0x3C00  }
0x254: {  	[tilespmem:s31], [sflag:$0x1] =	stream.indirect_vreg.gather [hbm4b:s3+s2], $0x80, v5, vm0, $0xb8;
	[tilespmem:$0x19C00] =	vst v63  }
0x255: {  	s29 =	simm.s32 $0x4400  }
0x256: {  	[tilespmem:s29], [sflag:$0x1] =	stream.indirect_vreg.gather [hbm4b:s3+s2], $0x80, v4, vm0, $0xb8;
	[tilespmem:$0x19C00] =	vst v63  }
0x257: {  	v4 =	vld [tilespmem:s26+$0x130];
	_ =	sdelay $0x4  }
0x258: {  	v5 =	vshrl.u32 v4, $0x3  }
0x259: {  	v5 =	vmul.u32 $0x18, v5  }
0x25a: {  	v4 =	vand.u32 $0x7, v4  }
0x25b: {  	v4 =	vor.u32 v4, v5  }
0x25c: {  	v5 =	vperm.xlane v4, v0;
	_ =	sdelay $0x1  }
0x25d: {  	v4 =	vperm.xlane v4, v2;
	v5 =	vadd.s32 v1, v5;
	_ =	sdelay $0x1  }
0x25e: {  	v4 =	vadd.s32 v1, v4;
	_ =	sdelay $0x1  }
0x25f: {  	s30 =	simm.s32 $0x4C00  }
0x260: {  	[tilespmem:s30], [sflag:$0x1] =	stream.indirect_vreg.gather [hbm4b:s3+s2], $0x80, v5, vm0, $0xb8;
	[tilespmem:$0x19C00] =	vst v63  }
0x261: {  	s31 =	simm.s32 $0x5400  }
0x262: {  	[tilespmem:s31], [sflag:$0x1] =	stream.indirect_vreg.gather [hbm4b:s3+s2], $0x80, v4, vm0, $0xb8;
	[tilespmem:$0x19C00] =	vst v63  }
0x263: {  	v4 =	vld [tilespmem:s26+$0x140];
	_ =	sdelay $0x4  }
0x264: {  	v5 =	vshrl.u32 v4, $0x3  }
0x265: {  	v5 =	vmul.u32 $0x18, v5  }
0x266: {  	v4 =	vand.u32 $0x7, v4  }
0x267: {  	v4 =	vor.u32 v4, v5  }
0x268: {  	v5 =	vperm.xlane v4, v0;
	_ =	sdelay $0x1  }
0x269: {  	v4 =	vperm.xlane v4, v2;
	v5 =	vadd.s32 v1, v5;
	_ =	sdelay $0x1  }
0x26a: {  	v4 =	vadd.s32 v1, v4;
	_ =	sdelay $0x1  }
0x26b: {  	s29 =	simm.s32 $0x5C00  }
0x26c: {  	[tilespmem:s29], [sflag:$0x1] =	stream.indirect_vreg.gather [hbm4b:s3+s2], $0x80, v5, vm0, $0xb8;
	[tilespmem:$0x19C00] =	vst v63  }
0x26d: {  	s30 =	simm.s32 $0x6400  }
0x26e: {  	[tilespmem:s30], [sflag:$0x1] =	stream.indirect_vreg.gather [hbm4b:s3+s2], $0x80, v4, vm0, $0xb8;
	[tilespmem:$0x19C00] =	vst v63  }
0x26f: {  	v4 =	vld [tilespmem:s26+$0x150];
	_ =	sdelay $0x4  }
0x270: {  	v5 =	vshrl.u32 v4, $0x3  }
0x271: {  	v5 =	vmul.u32 $0x18, v5  }
0x272: {  	v4 =	vand.u32 $0x7, v4  }
0x273: {  	v4 =	vor.u32 v4, v5  }
0x274: {  	v5 =	vperm.xlane v4, v0;
	_ =	sdelay $0x1  }
0x275: {  	v4 =	vperm.xlane v4, v2;
	v5 =	vadd.s32 v1, v5;
	_ =	sdelay $0x1  }
0x276: {  	v4 =	vadd.s32 v1, v4;
	_ =	sdelay $0x1  }
0x277: {  	s31 =	simm.s32 $0x6C00  }
0x278: {  	[tilespmem:s31], [sflag:$0x1] =	stream.indirect_vreg.gather [hbm4b:s3+s2], $0x80, v5, vm0, $0xb8;
	[tilespmem:$0x19C00] =	vst v63  }
0x279: {  	s29 =	simm.s32 $0x7400  }
0x27a: {  	[tilespmem:s29], [sflag:$0x1] =	stream.indirect_vreg.gather [hbm4b:s3+s2], $0x80, v4, vm0, $0xb8;
	[tilespmem:$0x19C00] =	vst v63  }
0x27b: {  	v4 =	vld [tilespmem:s26+$0x160];
	_ =	sdelay $0x4  }
0x27c: {  	v5 =	vshrl.u32 v4, $0x3  }
0x27d: {  	v5 =	vmul.u32 $0x18, v5  }
0x27e: {  	v4 =	vand.u32 $0x7, v4  }
0x27f: {  	v4 =	vor.u32 v4, v5  }
0x280: {  	v5 =	vperm.xlane v4, v0;
	_ =	sdelay $0x1  }
0x281: {  	v4 =	vperm.xlane v4, v2;
	v5 =	vadd.s32 v1, v5;
	_ =	sdelay $0x1  }
0x282: {  	v4 =	vadd.s32 v1, v4;
	_ =	sdelay $0x1  }
0x283: {  	s30 =	simm.s32 $0x7C00  }
0x284: {  	[tilespmem:s30], [sflag:$0x1] =	stream.indirect_vreg.gather [hbm4b:s3+s2], $0x80, v5, vm0, $0xb8;
	[tilespmem:$0x19C00] =	vst v63  }
0x285: {  	s31 =	simm.s32 $0x8400  }
0x286: {  	[tilespmem:s31], [sflag:$0x1] =	stream.indirect_vreg.gather [hbm4b:s3+s2], $0x80, v4, vm0, $0xb8;
	[tilespmem:$0x19C00] =	vst v63  }
0x287: {  	v4 =	vld [tilespmem:s26+$0x170];
	_ =	sdelay $0x4  }
0x288: {  	v5 =	vshrl.u32 v4, $0x3  }
0x289: {  	v5 =	vmul.u32 $0x18, v5  }
0x28a: {  	v4 =	vand.u32 $0x7, v4  }
0x28b: {  	v4 =	vor.u32 v4, v5  }
0x28c: {  	v5 =	vperm.xlane v4, v0;
	_ =	sdelay $0x1  }
0x28d: {  	v4 =	vperm.xlane v4, v2;
	v5 =	vadd.s32 v1, v5;
	_ =	sdelay $0x1  }
0x28e: {  	v4 =	vadd.s32 v1, v4;
	_ =	sdelay $0x1  }
0x28f: {  	s29 =	simm.s32 $0x8C00  }
0x290: {  	[tilespmem:s29], [sflag:$0x1] =	stream.indirect_vreg.gather [hbm4b:s3+s2], $0x80, v5, vm0, $0xb8;
	[tilespmem:$0x19C00] =	vst v63  }
0x291: {  	s30 =	simm.s32 $0x9400  }
0x292: {  	[tilespmem:s30], [sflag:$0x1] =	stream.indirect_vreg.gather [hbm4b:s3+s2], $0x80, v4, vm0, $0xb8;
	[tilespmem:$0x19C00] =	vst v63  }
0x293: {  	v4 =	vld [tilespmem:s26+$0x100];
	_ =	sdelay $0x4  }
0x294: {  	v5 =	vshrl.u32 v4, $0x3  }
0x295: {  	v5 =	vmul.u32 $0x18, v5  }
0x296: {  	v4 =	vand.u32 $0x7, v4  }
0x297: {  	v4 =	vor.u32 v4, v5  }
0x298: {  	v5 =	vperm.xlane v4, v0;
	_ =	sdelay $0x1  }
0x299: {  	v4 =	vperm.xlane v4, v2;
	v5 =	vadd.s32 v1, v5;
	_ =	sdelay $0x1  }
0x29a: {  	v4 =	vadd.s32 v1, v4;
	_ =	sdelay $0x1  }
0x29b: {  	s31 =	simm.s32 $0x2000  }
0x29c: {  	[tilespmem:s31], [sflag:$0x1] =	stream.indirect_vreg.gather [hbm4b:s6+s2], $0x80, v5, vm0, $0xb8;
	[tilespmem:$0x19C00] =	vst v63  }
0x29d: {  	s29 =	simm.s32 $0x2800  }
0x29e: {  	[tilespmem:s29], [sflag:$0x1] =	stream.indirect_vreg.gather [hbm4b:s6+s2], $0x80, v4, vm0, $0xb8;
	[tilespmem:$0x19C00] =	vst v63  }
0x29f: {  	v4 =	vld [tilespmem:s26+$0x110];
	_ =	sdelay $0x4  }
0x2a0: {  	v5 =	vshrl.u32 v4, $0x3  }
0x2a1: {  	v5 =	vmul.u32 $0x18, v5  }
0x2a2: {  	v4 =	vand.u32 $0x7, v4  }
0x2a3: {  	v4 =	vor.u32 v4, v5  }
0x2a4: {  	v5 =	vperm.xlane v4, v0;
	_ =	sdelay $0x1  }
0x2a5: {  	v4 =	vperm.xlane v4, v2;
	v5 =	vadd.s32 v1, v5;
	_ =	sdelay $0x1  }
0x2a6: {  	v4 =	vadd.s32 v1, v4;
	_ =	sdelay $0x1  }
0x2a7: {  	s30 =	simm.s32 $0x3000  }
0x2a8: {  	[tilespmem:s30], [sflag:$0x1] =	stream.indirect_vreg.gather [hbm4b:s6+s2], $0x80, v5, vm0, $0xb8;
	[tilespmem:$0x19C00] =	vst v63  }
0x2a9: {  	s31 =	simm.s32 $0x3800  }
0x2aa: {  	[tilespmem:s31], [sflag:$0x1] =	stream.indirect_vreg.gather [hbm4b:s6+s2], $0x80, v4, vm0, $0xb8;
	[tilespmem:$0x19C00] =	vst v63  }
0x2ab: {  	v4 =	vld [tilespmem:s26+$0x120];
	_ =	sdelay $0x4  }
0x2ac: {  	v5 =	vshrl.u32 v4, $0x3  }
0x2ad: {  	v5 =	vmul.u32 $0x18, v5  }
0x2ae: {  	v4 =	vand.u32 $0x7, v4  }
0x2af: {  	v4 =	vor.u32 v4, v5  }
0x2b0: {  	v5 =	vperm.xlane v4, v0;
	_ =	sdelay $0x1  }
0x2b1: {  	v4 =	vperm.xlane v4, v2;
	v5 =	vadd.s32 v1, v5;
	_ =	sdelay $0x1  }
0x2b2: {  	v4 =	vadd.s32 v1, v4;
	_ =	sdelay $0x1  }
0x2b3: {  	s29 =	simm.s32 $0x4000  }
0x2b4: {  	[tilespmem:s29], [sflag:$0x1] =	stream.indirect_vreg.gather [hbm4b:s6+s2], $0x80, v5, vm0, $0xb8;
	[tilespmem:$0x19C00] =	vst v63  }
0x2b5: {  	s30 =	simm.s32 $0x4800  }
0x2b6: {  	[tilespmem:s30], [sflag:$0x1] =	stream.indirect_vreg.gather [hbm4b:s6+s2], $0x80, v4, vm0, $0xb8;
	[tilespmem:$0x19C00] =	vst v63  }
0x2b7: {  	v4 =	vld [tilespmem:s26+$0x130];
	_ =	sdelay $0x4  }
0x2b8: {  	v5 =	vshrl.u32 v4, $0x3  }
0x2b9: {  	v5 =	vmul.u32 $0x18, v5  }
0x2ba: {  	v4 =	vand.u32 $0x7, v4  }
0x2bb: {  	v4 =	vor.u32 v4, v5  }
0x2bc: {  	v5 =	vperm.xlane v4, v0;
	_ =	sdelay $0x1  }
0x2bd: {  	v4 =	vperm.xlane v4, v2;
	v5 =	vadd.s32 v1, v5;
	_ =	sdelay $0x1  }
0x2be: {  	v4 =	vadd.s32 v1, v4;
	_ =	sdelay $0x1  }
0x2bf: {  	s31 =	simm.s32 $0x5000  }
0x2c0: {  	[tilespmem:s31], [sflag:$0x1] =	stream.indirect_vreg.gather [hbm4b:s6+s2], $0x80, v5, vm0, $0xb8;
	[tilespmem:$0x19C00] =	vst v63  }
0x2c1: {  	s29 =	simm.s32 $0x5800  }
0x2c2: {  	[tilespmem:s29], [sflag:$0x1] =	stream.indirect_vreg.gather [hbm4b:s6+s2], $0x80, v4, vm0, $0xb8;
	[tilespmem:$0x19C00] =	vst v63  }
0x2c3: {  	v4 =	vld [tilespmem:s26+$0x140];
	_ =	sdelay $0x4  }
0x2c4: {  	v5 =	vshrl.u32 v4, $0x3  }
0x2c5: {  	v5 =	vmul.u32 $0x18, v5  }
0x2c6: {  	v4 =	vand.u32 $0x7, v4  }
0x2c7: {  	v4 =	vor.u32 v4, v5  }
0x2c8: {  	v5 =	vperm.xlane v4, v0;
	_ =	sdelay $0x1  }
0x2c9: {  	v4 =	vperm.xlane v4, v2;
	v5 =	vadd.s32 v1, v5;
	_ =	sdelay $0x1  }
0x2ca: {  	v4 =	vadd.s32 v1, v4;
	_ =	sdelay $0x1  }
0x2cb: {  	s30 =	simm.s32 $0x6000  }
0x2cc: {  	[tilespmem:s30], [sflag:$0x1] =	stream.indirect_vreg.gather [hbm4b:s6+s2], $0x80, v5, vm0, $0xb8;
	[tilespmem:$0x19C00] =	vst v63  }
0x2cd: {  	s31 =	simm.s32 $0x6800  }
0x2ce: {  	[tilespmem:s31], [sflag:$0x1] =	stream.indirect_vreg.gather [hbm4b:s6+s2], $0x80, v4, vm0, $0xb8;
	[tilespmem:$0x19C00] =	vst v63  }
0x2cf: {  	v4 =	vld [tilespmem:s26+$0x150];
	_ =	sdelay $0x4  }
0x2d0: {  	v5 =	vshrl.u32 v4, $0x3  }
0x2d1: {  	v5 =	vmul.u32 $0x18, v5  }
0x2d2: {  	v4 =	vand.u32 $0x7, v4  }
0x2d3: {  	v4 =	vor.u32 v4, v5  }
0x2d4: {  	v5 =	vperm.xlane v4, v0;
	_ =	sdelay $0x1  }
0x2d5: {  	v4 =	vperm.xlane v4, v2;
	v5 =	vadd.s32 v1, v5;
	_ =	sdelay $0x1  }
0x2d6: {  	v4 =	vadd.s32 v1, v4;
	_ =	sdelay $0x1  }
0x2d7: {  	s29 =	simm.s32 $0x7000  }
0x2d8: {  	[tilespmem:s29], [sflag:$0x1] =	stream.indirect_vreg.gather [hbm4b:s6+s2], $0x80, v5, vm0, $0xb8;
	[tilespmem:$0x19C00] =	vst v63  }
0x2d9: {  	s30 =	simm.s32 $0x7800  }
0x2da: {  	[tilespmem:s30], [sflag:$0x1] =	stream.indirect_vreg.gather [hbm4b:s6+s2], $0x80, v4, vm0, $0xb8;
	[tilespmem:$0x19C00] =	vst v63  }
0x2db: {  	v4 =	vld [tilespmem:s26+$0x160];
	_ =	sdelay $0x4  }
0x2dc: {  	v5 =	vshrl.u32 v4, $0x3  }
0x2dd: {  	v5 =	vmul.u32 $0x18, v5  }
0x2de: {  	v4 =	vand.u32 $0x7, v4  }
0x2df: {  	v4 =	vor.u32 v4, v5  }
0x2e0: {  	v5 =	vperm.xlane v4, v0;
	_ =	sdelay $0x1  }
0x2e1: {  	v4 =	vperm.xlane v4, v2;
	v5 =	vadd.s32 v1, v5;
	_ =	sdelay $0x1  }
0x2e2: {  	v4 =	vadd.s32 v1, v4;
	_ =	sdelay $0x1  }
0x2e3: {  	s31 =	simm.s32 $0x8000  }
0x2e4: {  	[tilespmem:s31], [sflag:$0x1] =	stream.indirect_vreg.gather [hbm4b:s6+s2], $0x80, v5, vm0, $0xb8;
	[tilespmem:$0x19C00] =	vst v63  }
0x2e5: {  	s29 =	simm.s32 $0x8800  }
0x2e6: {  	[tilespmem:s29], [sflag:$0x1] =	stream.indirect_vreg.gather [hbm4b:s6+s2], $0x80, v4, vm0, $0xb8;
	[tilespmem:$0x19C00] =	vst v63  }
0x2e7: {  	v4 =	vld [tilespmem:s26+$0x170];
	_ =	sdelay $0x4  }
0x2e8: {  	v5 =	vshrl.u32 v4, $0x3  }
0x2e9: {  	v5 =	vmul.u32 $0x18, v5  }
0x2ea: {  	v4 =	vand.u32 $0x7, v4  }
0x2eb: {  	v4 =	vor.u32 v4, v5  }
0x2ec: {  	v5 =	vperm.xlane v4, v0;
	_ =	sdelay $0x1  }
0x2ed: {  	v4 =	vperm.xlane v4, v2;
	v5 =	vadd.s32 v1, v5;
	_ =	sdelay $0x1  }
0x2ee: {  	v4 =	vadd.s32 v1, v4;
	_ =	sdelay $0x1  }
0x2ef: {  	s30 =	simm.s32 $0x9000  }
0x2f0: {  	[tilespmem:s30], [sflag:$0x1] =	stream.indirect_vreg.gather [hbm4b:s6+s2], $0x80, v5, vm0, $0xb8;
	[tilespmem:$0x19C00] =	vst v63  }
0x2f1: {  	s31 =	simm.s32 $0x9800  }
0x2f2: {  	[tilespmem:s31], [sflag:$0x1] =	stream.indirect_vreg.gather [hbm4b:s6+s2], $0x80, v4, vm0, $0xb8;
	[tilespmem:$0x19C00] =	vst v63  }
.LBB2_10:
0x2f3: {  	_ =	swait.ge [sflag:s22], $0x4000  }
0x2f4: {  	[sflag:s22] =	ssyncset.done $0x0  }
0x2f5: {  	[sflag:s22] =	ssyncadd.s32 $0xFFFFC000  }
0x2f6: {  	s26 =	simm.s32 $0x0;
	_ =	swait.ge [sflag:s22], $0x4000  }
0x2f7: {  	s28 =	sand.u32 $0x7800, s26;
	s26 =	sand.u32 $0x380, s26;
	[sflag:s22] =	ssyncset.done $0x0  }
0x2f8: {  	s26 =	sor.u32 s26, s28;
	[sflag:s22] =	ssyncadd.s32 $0xFFFFC000  }
0x2f9: {  	v4 =	vld [tilespmem:s26+$0xA070]  }
0x2fa: {  	v5 =	vld [tilespmem:s26+$0x9C00]  }
0x2fb: {  	v6 =	vld [tilespmem:s26+$0x9C10]  }
0x2fc: {  	v7 =	vld [tilespmem:s26+$0x9C20]  }
0x2fd: {  	v8 =	vld [tilespmem:s26+$0x9C30]  }
0x2fe: {  	v9 =	vld [tilespmem:s26+$0x9C40]  }
0x2ff: {  	v10 =	vld [tilespmem:s26+$0x9C50]  }
0x300: {  	v11 =	vld [tilespmem:s26+$0x9C60]  }
0x301: {  	v12 =	vld [tilespmem:s26+$0x9C70]  }
0x302: {  	v13 =	vld [tilespmem:s26+$0xA000]  }
0x303: {  	v14 =	vld [tilespmem:s26+$0xA010]  }
0x304: {  	v15 =	vld [tilespmem:s26+$0xA020]  }
0x305: {  	v16 =	vld [tilespmem:s26+$0xA030]  }
0x306: {  	v17 =	vld [tilespmem:s26+$0xA040]  }
0x307: {  	v18 =	vld [tilespmem:s26+$0xA050]  }
0x308: {  	[tilespmem:s26+$0x12070] =	vst.add.f32.msk $0xffff, v4  }
0x309: {  	v4 =	vld [tilespmem:s26+$0xA060]  }
0x30a: {  	[tilespmem:s26+$0x11C00] =	vst.add.f32.msk $0xffff, v5  }
0x30b: {  	[tilespmem:s26+$0x11C10] =	vst.add.f32.msk $0xffff, v6  }
0x30c: {  	[tilespmem:s26+$0x11C20] =	vst.add.f32.msk $0xffff, v7  }
0x30d: {  	[tilespmem:s26+$0x11C30] =	vst.add.f32.msk $0xffff, v8  }
0x30e: {  	[tilespmem:s26+$0x11C40] =	vst.add.f32.msk $0xffff, v9  }
0x30f: {  	[tilespmem:s26+$0x11C50] =	vst.add.f32.msk $0xffff, v10  }
0x310: {  	[tilespmem:s26+$0x11C60] =	vst.add.f32.msk $0xffff, v11  }
0x311: {  	[tilespmem:s26+$0x11C70] =	vst.add.f32.msk $0xffff, v12  }
0x312: {  	[tilespmem:s26+$0x12000] =	vst.add.f32.msk $0xffff, v13  }
0x313: {  	[tilespmem:s26+$0x12010] =	vst.add.f32.msk $0xffff, v14  }
0x314: {  	[tilespmem:s26+$0x12020] =	vst.add.f32.msk $0xffff, v15  }
0x315: {  	[tilespmem:s26+$0x12030] =	vst.add.f32.msk $0xffff, v16  }
0x316: {  	s29 =	simm.s32 $0x100;
	s28 =	simm.s32 $0x80;
	[tilespmem:s26+$0x12040] =	vst.add.f32.msk $0xffff, v17  }
0x317: {  	s30 =	sand.u32 $0x7800, s29;
	s29 =	simm.s32 $0x200;
	s31 =	sand.u32 $0x380, s28;
	[tilespmem:s26+$0x12050] =	vst.add.f32.msk $0xffff, v18  }
.LBB2_11:
0x318: {  	p1 =	sne.s32 s29, $0x7F00;
	[tilespmem:s26+$0x12060] =	vst.add.f32.msk $0xffff, v4;
	s26 =	sor.u32 s31, s30  }
0x319: {  	v4 =	vld [tilespmem:s26+$0xA070]  }
0x31a: {  	v5 =	vld [tilespmem:s26+$0x9C00]  }
0x31b: {  	v6 =	vld [tilespmem:s26+$0x9C10]  }
0x31c: {  	v7 =	vld [tilespmem:s26+$0x9C20]  }
0x31d: {  	v8 =	vld [tilespmem:s26+$0x9C30]  }
0x31e: {  	[tilespmem:s26+$0x12070] =	vst.add.f32.msk $0xffff, v4  }
0x31f: {  	v9 =	vld [tilespmem:s26+$0x9C40]  }
0x320: {  	v10 =	vld [tilespmem:s26+$0x9C50]  }
0x321: {  	v11 =	vld [tilespmem:s26+$0x9C60]  }
0x322: {  	v12 =	vld [tilespmem:s26+$0x9C70]  }
0x323: {  	v13 =	vld [tilespmem:s26+$0xA000]  }
0x324: {  	v14 =	vld [tilespmem:s26+$0xA010]  }
0x325: {  	v15 =	vld [tilespmem:s26+$0xA020]  }
0x326: {  	v16 =	vld [tilespmem:s26+$0xA030]  }
0x327: {  	v17 =	vld [tilespmem:s26+$0xA040]  }
0x328: {  	v18 =	vld [tilespmem:s26+$0xA050]  }
0x329: {  	v4 =	vld [tilespmem:s26+$0xA060]  }
0x32a: {  	[tilespmem:s26+$0x11C00] =	vst.add.f32.msk $0xffff, v5  }
0x32b: {  	[tilespmem:s26+$0x11C10] =	vst.add.f32.msk $0xffff, v6  }
0x32c: {  	[tilespmem:s26+$0x11C20] =	vst.add.f32.msk $0xffff, v7  }
0x32d: {  	[tilespmem:s26+$0x11C30] =	vst.add.f32.msk $0xffff, v8  }
0x32e: {  	[tilespmem:s26+$0x11C40] =	vst.add.f32.msk $0xffff, v9  }
0x32f: {  	[tilespmem:s26+$0x11C50] =	vst.add.f32.msk $0xffff, v10  }
0x330: {  	[tilespmem:s26+$0x11C60] =	vst.add.f32.msk $0xffff, v11  }
0x331: {  	[tilespmem:s26+$0x11C70] =	vst.add.f32.msk $0xffff, v12  }
0x332: {  	[tilespmem:s26+$0x12000] =	vst.add.f32.msk $0xffff, v13  }
.Ltmp7:
0x333: {  	[tilespmem:s26+$0x12010] =	vst.add.f32.msk $0xffff, v14;
	(pc) =	sbr.rel @p1 .LBB2_11-.Ltmp7, $4  }
0x334: {  	[tilespmem:s26+$0x12020] =	vst.add.f32.msk $0xffff, v15  }
0x335: {  	[tilespmem:s26+$0x12030] =	vst.add.f32.msk $0xffff, v16  }
0x336: {  	s28 =	sadd.s32 $0x80, s28;
	[tilespmem:s26+$0x12040] =	vst.add.f32.msk $0xffff, v17  }
0x337: {  	s30 =	sand.u32 $0x7800, s29;
	s29 =	sadd.s32 $0x100, s29;
	s31 =	sand.u32 $0x380, s28;
	[tilespmem:s26+$0x12050] =	vst.add.f32.msk $0xffff, v18  }
0x338: {  	s28 =	sor.u32 s31, s30;
	[tilespmem:s26+$0x12060] =	vst.add.f32.msk $0xffff, v4  }
0x339: {  	v4 =	vld [tilespmem:s28+$0xA070]  }
0x33a: {  	v5 =	vld [tilespmem:s28+$0x9C00]  }
0x33b: {  	v6 =	vld [tilespmem:s28+$0x9C10]  }
0x33c: {  	v7 =	vld [tilespmem:s28+$0x9C20]  }
0x33d: {  	v8 =	vld [tilespmem:s28+$0x9C30]  }
0x33e: {  	v9 =	vld [tilespmem:s28+$0x9C50]  }
0x33f: {  	v10 =	vld [tilespmem:s28+$0x9C60]  }
0x340: {  	v11 =	vld [tilespmem:s28+$0x9C70]  }
0x341: {  	v12 =	vld [tilespmem:s28+$0xA000]  }
0x342: {  	v13 =	vld [tilespmem:s28+$0xA010]  }
0x343: {  	v14 =	vld [tilespmem:s28+$0xA020]  }
0x344: {  	v15 =	vld [tilespmem:s28+$0xA030]  }
0x345: {  	v16 =	vld [tilespmem:s28+$0xA040]  }
0x346: {  	v17 =	vld [tilespmem:s28+$0xA050]  }
0x347: {  	v18 =	vld [tilespmem:s28+$0xA060]  }
0x348: {  	[tilespmem:s28+$0x12070] =	vst.add.f32.msk $0xffff, v4  }
0x349: {  	v4 =	vld [tilespmem:s28+$0x9C40]  }
0x34a: {  	[tilespmem:s28+$0x11C00] =	vst.add.f32.msk $0xffff, v5  }
0x34b: {  	[tilespmem:s28+$0x11C10] =	vst.add.f32.msk $0xffff, v6  }
0x34c: {  	[tilespmem:s28+$0x11C20] =	vst.add.f32.msk $0xffff, v7  }
0x34d: {  	[tilespmem:s28+$0x11C30] =	vst.add.f32.msk $0xffff, v8  }
0x34e: {  	[tilespmem:s28+$0x11C50] =	vst.add.f32.msk $0xffff, v9  }
0x34f: {  	[tilespmem:s28+$0x11C60] =	vst.add.f32.msk $0xffff, v10  }
0x350: {  	[tilespmem:s28+$0x11C70] =	vst.add.f32.msk $0xffff, v11  }
0x351: {  	[tilespmem:s28+$0x12000] =	vst.add.f32.msk $0xffff, v12  }
0x352: {  	[tilespmem:s28+$0x12010] =	vst.add.f32.msk $0xffff, v13  }
0x353: {  	[tilespmem:s28+$0x12020] =	vst.add.f32.msk $0xffff, v14  }
.Ltmp8:
0x354: {  	[tilespmem:s28+$0x12030] =	vst.add.f32.msk $0xffff, v15;
	(pc) =	sbr.rel @p0 .LBB2_14-.Ltmp8, $4  }
0x355: {  	[tilespmem:s28+$0x12040] =	vst.add.f32.msk $0xffff, v16  }
0x356: {  	[tilespmem:s28+$0x12050] =	vst.add.f32.msk $0xffff, v17  }
0x357: {  	[tilespmem:s28+$0x12060] =	vst.add.f32.msk $0xffff, v18  }
0x358: {  	[tilespmem:s28+$0x11C40] =	vst.add.f32.msk $0xffff, v4  }
0x359: {  	s25 =	sshrl.u32 s25, $0x2  }
0x35a: {  	v4 =	vld [tilespmem:s25+$0x180];
	_ =	sdelay $0x4  }
0x35b: {  	v5 =	vshrl.u32 v4, $0x3  }
0x35c: {  	v5 =	vmul.u32 $0x18, v5  }
0x35d: {  	v4 =	vand.u32 $0x7, v4  }
0x35e: {  	v4 =	vor.u32 v4, v5  }
0x35f: {  	v5 =	vperm.xlane v4, v0;
	_ =	sdelay $0x1  }
0x360: {  	v4 =	vperm.xlane v4, v2;
	v5 =	vadd.s32 v1, v5;
	_ =	sdelay $0x1  }
0x361: {  	v4 =	vadd.s32 v1, v4;
	_ =	sdelay $0x1  }
0x362: {  	s26 =	simm.s32 $0x9C00  }
0x363: {  	[tilespmem:s26], [sflag:$0x2] =	stream.indirect_vreg.gather [hbm4b:s3+s2], $0x80, v5, vm0, $0xb8;
	[tilespmem:$0x19C00] =	vst v63  }
0x364: {  	s31 =	simm.s32 $0xA400  }
0x365: {  	[tilespmem:s31], [sflag:$0x2] =	stream.indirect_vreg.gather [hbm4b:s3+s2], $0x80, v4, vm0, $0xb8;
	[tilespmem:$0x19C00] =	vst v63  }
0x366: {  	v4 =	vld [tilespmem:s25+$0x190];
	_ =	sdelay $0x4  }
0x367: {  	v5 =	vshrl.u32 v4, $0x3  }
0x368: {  	v5 =	vmul.u32 $0x18, v5  }
0x369: {  	v4 =	vand.u32 $0x7, v4  }
0x36a: {  	v4 =	vor.u32 v4, v5  }
0x36b: {  	v5 =	vperm.xlane v4, v0;
	_ =	sdelay $0x1  }
0x36c: {  	v4 =	vperm.xlane v4, v2;
	v5 =	vadd.s32 v1, v5;
	_ =	sdelay $0x1  }
0x36d: {  	v4 =	vadd.s32 v1, v4;
	_ =	sdelay $0x1  }
0x36e: {  	s28 =	simm.s32 $0xAC00  }
0x36f: {  	[tilespmem:s28], [sflag:$0x2] =	stream.indirect_vreg.gather [hbm4b:s3+s2], $0x80, v5, vm0, $0xb8;
	[tilespmem:$0x19C00] =	vst v63  }
0x370: {  	s29 =	simm.s32 $0xB400  }
0x371: {  	[tilespmem:s29], [sflag:$0x2] =	stream.indirect_vreg.gather [hbm4b:s3+s2], $0x80, v4, vm0, $0xb8;
	[tilespmem:$0x19C00] =	vst v63  }
0x372: {  	v4 =	vld [tilespmem:s25+$0x1A0];
	_ =	sdelay $0x4  }
0x373: {  	v5 =	vshrl.u32 v4, $0x3  }
0x374: {  	v5 =	vmul.u32 $0x18, v5  }
0x375: {  	v4 =	vand.u32 $0x7, v4  }
0x376: {  	v4 =	vor.u32 v4, v5  }
0x377: {  	v5 =	vperm.xlane v4, v0;
	_ =	sdelay $0x1  }
0x378: {  	v4 =	vperm.xlane v4, v2;
	v5 =	vadd.s32 v1, v5;
	_ =	sdelay $0x1  }
0x379: {  	v4 =	vadd.s32 v1, v4;
	_ =	sdelay $0x1  }
0x37a: {  	s30 =	simm.s32 $0xBC00  }
0x37b: {  	[tilespmem:s30], [sflag:$0x2] =	stream.indirect_vreg.gather [hbm4b:s3+s2], $0x80, v5, vm0, $0xb8;
	[tilespmem:$0x19C00] =	vst v63  }
0x37c: {  	s31 =	simm.s32 $0xC400  }
0x37d: {  	[tilespmem:s31], [sflag:$0x2] =	stream.indirect_vreg.gather [hbm4b:s3+s2], $0x80, v4, vm0, $0xb8;
	[tilespmem:$0x19C00] =	vst v63  }
0x37e: {  	v4 =	vld [tilespmem:s25+$0x1B0];
	_ =	sdelay $0x4  }
0x37f: {  	v5 =	vshrl.u32 v4, $0x3  }
0x380: {  	v5 =	vmul.u32 $0x18, v5  }
0x381: {  	v4 =	vand.u32 $0x7, v4  }
0x382: {  	v4 =	vor.u32 v4, v5  }
0x383: {  	v5 =	vperm.xlane v4, v0;
	_ =	sdelay $0x1  }
0x384: {  	v4 =	vperm.xlane v4, v2;
	v5 =	vadd.s32 v1, v5;
	_ =	sdelay $0x1  }
0x385: {  	v4 =	vadd.s32 v1, v4;
	_ =	sdelay $0x1  }
0x386: {  	s28 =	simm.s32 $0xCC00  }
0x387: {  	[tilespmem:s28], [sflag:$0x2] =	stream.indirect_vreg.gather [hbm4b:s3+s2], $0x80, v5, vm0, $0xb8;
	[tilespmem:$0x19C00] =	vst v63  }
0x388: {  	s29 =	simm.s32 $0xD400  }
0x389: {  	[tilespmem:s29], [sflag:$0x2] =	stream.indirect_vreg.gather [hbm4b:s3+s2], $0x80, v4, vm0, $0xb8;
	[tilespmem:$0x19C00] =	vst v63  }
0x38a: {  	v4 =	vld [tilespmem:s25+$0x1C0];
	_ =	sdelay $0x4  }
0x38b: {  	v5 =	vshrl.u32 v4, $0x3  }
0x38c: {  	v5 =	vmul.u32 $0x18, v5  }
0x38d: {  	v4 =	vand.u32 $0x7, v4  }
0x38e: {  	v4 =	vor.u32 v4, v5  }
0x38f: {  	v5 =	vperm.xlane v4, v0;
	_ =	sdelay $0x1  }
0x390: {  	v4 =	vperm.xlane v4, v2;
	v5 =	vadd.s32 v1, v5;
	_ =	sdelay $0x1  }
0x391: {  	v4 =	vadd.s32 v1, v4;
	_ =	sdelay $0x1  }
0x392: {  	s30 =	simm.s32 $0xDC00  }
0x393: {  	[tilespmem:s30], [sflag:$0x2] =	stream.indirect_vreg.gather [hbm4b:s3+s2], $0x80, v5, vm0, $0xb8;
	[tilespmem:$0x19C00] =	vst v63  }
0x394: {  	s31 =	simm.s32 $0xE400  }
0x395: {  	[tilespmem:s31], [sflag:$0x2] =	stream.indirect_vreg.gather [hbm4b:s3+s2], $0x80, v4, vm0, $0xb8;
	[tilespmem:$0x19C00] =	vst v63  }
0x396: {  	v4 =	vld [tilespmem:s25+$0x1D0];
	_ =	sdelay $0x4  }
0x397: {  	v5 =	vshrl.u32 v4, $0x3  }
0x398: {  	v5 =	vmul.u32 $0x18, v5  }
0x399: {  	v4 =	vand.u32 $0x7, v4  }
0x39a: {  	v4 =	vor.u32 v4, v5  }
0x39b: {  	v5 =	vperm.xlane v4, v0;
	_ =	sdelay $0x1  }
0x39c: {  	v4 =	vperm.xlane v4, v2;
	v5 =	vadd.s32 v1, v5;
	_ =	sdelay $0x1  }
0x39d: {  	v4 =	vadd.s32 v1, v4;
	_ =	sdelay $0x1  }
0x39e: {  	s28 =	simm.s32 $0xEC00  }
0x39f: {  	[tilespmem:s28], [sflag:$0x2] =	stream.indirect_vreg.gather [hbm4b:s3+s2], $0x80, v5, vm0, $0xb8;
	[tilespmem:$0x19C00] =	vst v63  }
0x3a0: {  	s29 =	simm.s32 $0xF400  }
0x3a1: {  	[tilespmem:s29], [sflag:$0x2] =	stream.indirect_vreg.gather [hbm4b:s3+s2], $0x80, v4, vm0, $0xb8;
	[tilespmem:$0x19C00] =	vst v63  }
0x3a2: {  	v4 =	vld [tilespmem:s25+$0x1E0];
	_ =	sdelay $0x4  }
0x3a3: {  	v5 =	vshrl.u32 v4, $0x3  }
0x3a4: {  	v5 =	vmul.u32 $0x18, v5  }
0x3a5: {  	v4 =	vand.u32 $0x7, v4  }
0x3a6: {  	v4 =	vor.u32 v4, v5  }
0x3a7: {  	v5 =	vperm.xlane v4, v0;
	_ =	sdelay $0x1  }
0x3a8: {  	v4 =	vperm.xlane v4, v2;
	v5 =	vadd.s32 v1, v5;
	_ =	sdelay $0x1  }
0x3a9: {  	v4 =	vadd.s32 v1, v4;
	_ =	sdelay $0x1  }
0x3aa: {  	s30 =	simm.s32 $0xFC00  }
0x3ab: {  	[tilespmem:s30], [sflag:$0x2] =	stream.indirect_vreg.gather [hbm4b:s3+s2], $0x80, v5, vm0, $0xb8;
	[tilespmem:$0x19C00] =	vst v63  }
0x3ac: {  	s31 =	simm.s32 $0x10400  }
0x3ad: {  	[tilespmem:s31], [sflag:$0x2] =	stream.indirect_vreg.gather [hbm4b:s3+s2], $0x80, v4, vm0, $0xb8;
	[tilespmem:$0x19C00] =	vst v63  }
0x3ae: {  	v4 =	vld [tilespmem:s25+$0x1F0];
	_ =	sdelay $0x4  }
0x3af: {  	v5 =	vshrl.u32 v4, $0x3  }
0x3b0: {  	v5 =	vmul.u32 $0x18, v5  }
0x3b1: {  	v4 =	vand.u32 $0x7, v4  }
0x3b2: {  	v4 =	vor.u32 v4, v5  }
0x3b3: {  	v5 =	vperm.xlane v4, v0;
	_ =	sdelay $0x1  }
0x3b4: {  	v4 =	vperm.xlane v4, v2;
	v5 =	vadd.s32 v1, v5;
	_ =	sdelay $0x1  }
0x3b5: {  	v4 =	vadd.s32 v1, v4;
	_ =	sdelay $0x2  }
0x3b6: {  	[tilespmem:s0], [sflag:$0x2] =	stream.indirect_vreg.gather [hbm4b:s3+s2], $0x80, v5, vm0, $0xb8;
	[tilespmem:$0x19C00] =	vst v63  }
0x3b7: {  	_ = 	snop  }
0x3b8: {  	[tilespmem:s1], [sflag:$0x2] =	stream.indirect_vreg.gather [hbm4b:s3+s2], $0x80, v4, vm0, $0xb8;
	[tilespmem:$0x19C00] =	vst v63  }
0x3b9: {  	v4 =	vld [tilespmem:s25+$0x180];
	_ =	sdelay $0x4  }
0x3ba: {  	v5 =	vshrl.u32 v4, $0x3  }
0x3bb: {  	v5 =	vmul.u32 $0x18, v5  }
0x3bc: {  	v4 =	vand.u32 $0x7, v4  }
0x3bd: {  	v4 =	vor.u32 v4, v5  }
0x3be: {  	v5 =	vperm.xlane v4, v0;
	_ =	sdelay $0x1  }
0x3bf: {  	v4 =	vperm.xlane v4, v2;
	v5 =	vadd.s32 v1, v5;
	_ =	sdelay $0x1  }
0x3c0: {  	v4 =	vadd.s32 v1, v4;
	_ =	sdelay $0x2  }
0x3c1: {  	[tilespmem:s9], [sflag:$0x2] =	stream.indirect_vreg.gather [hbm4b:s6+s2], $0x80, v5, vm0, $0xb8;
	[tilespmem:$0x19C00] =	vst v63  }
0x3c2: {  	_ = 	snop  }
0x3c3: {  	[tilespmem:s11], [sflag:$0x2] =	stream.indirect_vreg.gather [hbm4b:s6+s2], $0x80, v4, vm0, $0xb8;
	[tilespmem:$0x19C00] =	vst v63  }
0x3c4: {  	v4 =	vld [tilespmem:s25+$0x190];
	_ =	sdelay $0x4  }
0x3c5: {  	v5 =	vshrl.u32 v4, $0x3  }
0x3c6: {  	v5 =	vmul.u32 $0x18, v5  }
0x3c7: {  	v4 =	vand.u32 $0x7, v4  }
0x3c8: {  	v4 =	vor.u32 v4, v5  }
0x3c9: {  	v5 =	vperm.xlane v4, v0;
	_ =	sdelay $0x1  }
0x3ca: {  	v4 =	vperm.xlane v4, v2;
	v5 =	vadd.s32 v1, v5;
	_ =	sdelay $0x1  }
0x3cb: {  	v4 =	vadd.s32 v1, v4;
	_ =	sdelay $0x2  }
0x3cc: {  	[tilespmem:s5], [sflag:$0x2] =	stream.indirect_vreg.gather [hbm4b:s6+s2], $0x80, v5, vm0, $0xb8;
	[tilespmem:$0x19C00] =	vst v63  }
0x3cd: {  	_ = 	snop  }
0x3ce: {  	[tilespmem:s7], [sflag:$0x2] =	stream.indirect_vreg.gather [hbm4b:s6+s2], $0x80, v4, vm0, $0xb8;
	[tilespmem:$0x19C00] =	vst v63  }
0x3cf: {  	v4 =	vld [tilespmem:s25+$0x1A0];
	_ =	sdelay $0x4  }
0x3d0: {  	v5 =	vshrl.u32 v4, $0x3  }
0x3d1: {  	v5 =	vmul.u32 $0x18, v5  }
0x3d2: {  	v4 =	vand.u32 $0x7, v4  }
0x3d3: {  	v4 =	vor.u32 v4, v5  }
0x3d4: {  	v5 =	vperm.xlane v4, v0;
	_ =	sdelay $0x1  }
0x3d5: {  	v4 =	vperm.xlane v4, v2;
	v5 =	vadd.s32 v1, v5;
	_ =	sdelay $0x1  }
0x3d6: {  	v4 =	vadd.s32 v1, v4;
	_ =	sdelay $0x2  }
0x3d7: {  	[tilespmem:s8], [sflag:$0x2] =	stream.indirect_vreg.gather [hbm4b:s6+s2], $0x80, v5, vm0, $0xb8;
	[tilespmem:$0x19C00] =	vst v63  }
0x3d8: {  	_ = 	snop  }
0x3d9: {  	[tilespmem:s4], [sflag:$0x2] =	stream.indirect_vreg.gather [hbm4b:s6+s2], $0x80, v4, vm0, $0xb8;
	[tilespmem:$0x19C00] =	vst v63  }
0x3da: {  	v4 =	vld [tilespmem:s25+$0x1B0];
	_ =	sdelay $0x4  }
0x3db: {  	v5 =	vshrl.u32 v4, $0x3  }
0x3dc: {  	v5 =	vmul.u32 $0x18, v5  }
0x3dd: {  	v4 =	vand.u32 $0x7, v4  }
0x3de: {  	v4 =	vor.u32 v4, v5  }
0x3df: {  	v5 =	vperm.xlane v4, v0;
	_ =	sdelay $0x1  }
0x3e0: {  	v4 =	vperm.xlane v4, v2;
	v5 =	vadd.s32 v1, v5;
	_ =	sdelay $0x1  }
0x3e1: {  	v4 =	vadd.s32 v1, v4;
	_ =	sdelay $0x2  }
0x3e2: {  	[tilespmem:s12], [sflag:$0x2] =	stream.indirect_vreg.gather [hbm4b:s6+s2], $0x80, v5, vm0, $0xb8;
	[tilespmem:$0x19C00] =	vst v63  }
0x3e3: {  	_ = 	snop  }
0x3e4: {  	[tilespmem:s13], [sflag:$0x2] =	stream.indirect_vreg.gather [hbm4b:s6+s2], $0x80, v4, vm0, $0xb8;
	[tilespmem:$0x19C00] =	vst v63  }
0x3e5: {  	v4 =	vld [tilespmem:s25+$0x1C0];
	_ =	sdelay $0x4  }
0x3e6: {  	v5 =	vshrl.u32 v4, $0x3  }
0x3e7: {  	v5 =	vmul.u32 $0x18, v5  }
0x3e8: {  	v4 =	vand.u32 $0x7, v4  }
0x3e9: {  	v4 =	vor.u32 v4, v5  }
0x3ea: {  	v5 =	vperm.xlane v4, v0;
	_ =	sdelay $0x1  }
0x3eb: {  	v4 =	vperm.xlane v4, v2;
	v5 =	vadd.s32 v1, v5;
	_ =	sdelay $0x1  }
0x3ec: {  	v4 =	vadd.s32 v1, v4;
	_ =	sdelay $0x2  }
0x3ed: {  	[tilespmem:s14], [sflag:$0x2] =	stream.indirect_vreg.gather [hbm4b:s6+s2], $0x80, v5, vm0, $0xb8;
	[tilespmem:$0x19C00] =	vst v63  }
0x3ee: {  	_ = 	snop  }
0x3ef: {  	[tilespmem:s15], [sflag:$0x2] =	stream.indirect_vreg.gather [hbm4b:s6+s2], $0x80, v4, vm0, $0xb8;
	[tilespmem:$0x19C00] =	vst v63  }
0x3f0: {  	v4 =	vld [tilespmem:s25+$0x1D0];
	_ =	sdelay $0x4  }
0x3f1: {  	v5 =	vshrl.u32 v4, $0x3  }
0x3f2: {  	v5 =	vmul.u32 $0x18, v5  }
0x3f3: {  	v4 =	vand.u32 $0x7, v4  }
0x3f4: {  	v4 =	vor.u32 v4, v5  }
0x3f5: {  	v5 =	vperm.xlane v4, v0;
	_ =	sdelay $0x1  }
0x3f6: {  	v4 =	vperm.xlane v4, v2;
	v5 =	vadd.s32 v1, v5;
	_ =	sdelay $0x1  }
0x3f7: {  	v4 =	vadd.s32 v1, v4;
	_ =	sdelay $0x2  }
0x3f8: {  	[tilespmem:s16], [sflag:$0x2] =	stream.indirect_vreg.gather [hbm4b:s6+s2], $0x80, v5, vm0, $0xb8;
	[tilespmem:$0x19C00] =	vst v63  }
0x3f9: {  	_ = 	snop  }
0x3fa: {  	[tilespmem:s10], [sflag:$0x2] =	stream.indirect_vreg.gather [hbm4b:s6+s2], $0x80, v4, vm0, $0xb8;
	[tilespmem:$0x19C00] =	vst v63  }
0x3fb: {  	v4 =	vld [tilespmem:s25+$0x1E0];
	_ =	sdelay $0x4  }
0x3fc: {  	v5 =	vshrl.u32 v4, $0x3  }
0x3fd: {  	v5 =	vmul.u32 $0x18, v5  }
0x3fe: {  	v4 =	vand.u32 $0x7, v4  }
0x3ff: {  	v4 =	vor.u32 v4, v5  }
0x400: {  	v5 =	vperm.xlane v4, v0;
	_ =	sdelay $0x1  }
0x401: {  	v4 =	vperm.xlane v4, v2;
	v5 =	vadd.s32 v1, v5;
	_ =	sdelay $0x1  }
0x402: {  	v4 =	vadd.s32 v1, v4;
	_ =	sdelay $0x2  }
0x403: {  	[tilespmem:s17], [sflag:$0x2] =	stream.indirect_vreg.gather [hbm4b:s6+s2], $0x80, v5, vm0, $0xb8;
	[tilespmem:$0x19C00] =	vst v63  }
0x404: {  	_ = 	snop  }
0x405: {  	[tilespmem:s18], [sflag:$0x2] =	stream.indirect_vreg.gather [hbm4b:s6+s2], $0x80, v4, vm0, $0xb8;
	[tilespmem:$0x19C00] =	vst v63  }
0x406: {  	v4 =	vld [tilespmem:s25+$0x1F0];
	_ =	sdelay $0x4  }
0x407: {  	v5 =	vshrl.u32 v4, $0x3  }
0x408: {  	v5 =	vmul.u32 $0x18, v5  }
0x409: {  	v4 =	vand.u32 $0x7, v4  }
0x40a: {  	v4 =	vor.u32 v4, v5  }
0x40b: {  	v5 =	vperm.xlane v4, v0;
	_ =	sdelay $0x1  }
0x40c: {  	v4 =	vperm.xlane v4, v2;
	v5 =	vadd.s32 v1, v5;
	_ =	sdelay $0x1  }
0x40d: {  	v4 =	vadd.s32 v1, v4  }
.Ltmp9:
0x40e: {  	_ = 	snop;
	(pc) =	sbr.rel .LBB2_4-.Ltmp9, $4  }
0x40f: {  	_ = 	snop  }
0x410: {  	[tilespmem:s19], [sflag:$0x2] =	stream.indirect_vreg.gather [hbm4b:s6+s2], $0x80, v5, vm0, $0xb8;
	[tilespmem:$0x19C00] =	vst v63  }
0x411: {  	s24 =	sadd.s32 $0x1, s24  }
0x412: {  	[tilespmem:s20], [sflag:$0x2] =	stream.indirect_vreg.gather [hbm4b:s6+s2], $0x80, v4, vm0, $0xb8;
	[tilespmem:$0x19C00] =	vst v63  }
.LBB2_5:
.Ltmp10:
0x413: {  	(pc) =	sbr.rel .LBB2_8-.Ltmp10, $2  }
0x414: {  	_ =	sdelay $0x2  }
0x415: {  	_ = 	snop  }
.LBB2_15:
0x416: {  	_ =	sfence.sel $0x180000  }
0x417: {  	[bflag:$0x0] =	sbarrier.arrive $0xFFFF  }
0x418: {  	_ =	strace $0x90000047  }
0x419: {  	s0 =	stileid.u32;
	[bflag:$0x2] =	sbarrier.arrive $0xFFFF  }
0x41a: {  	p0 =	sne.s32 s0, $0x0;
	s0 =	rddreg [dreg:$0x2]  }
0x41b: {  	s0 =	sadd.s32 @!p0 $0x100000, s0  }
0x41c: {  	[sflag:s0] =	ssyncadd.tile.s32 @!p0 $0x1;
	_ =	shalt  }
.Lfunc_end2:
_tile_overlayer_lowered:
.L_overlay_start_2:
0x41d: {  	(tag) =	ssettag $0x2  }
0x41e: {  	s0 =	rddreg [dreg:$0x0];
	s2 =	stileid.u32  }
0x41f: {  	s1 =	rddreg [dreg:$0x1];
	p0 =	sne.s32 s2, $0x0  }
0x420: {  	s3 =	rddreg [dreg:$0x2];
	[bflag:$0x3] =	sbarrier.arrive $0xFFFF;
	s2 =	simm.s32 @!p0 $0x1C03  }
0x421: {  	[timem:s3], [sflag:s2] =	dma.local @!p0 [hbm:s0], s1  }
0x422: {  	s0 =	simm.s32 @!p0 $0x3  }
0x423: {  	_ =	swait.ge @!p0 [sflag:s0], s1  }
0x424: {  	s1 =	ssub.s32 @!p0 $0x0, s1;
	[sflag:s0] =	ssyncset.done @!p0 $0x0  }
0x425: {  	[sflag:s0] =	ssyncadd.s32 @!p0 s1  }
0x426: {  	[bflag:$0x3] =	sbarrier.arrive $0xFFFF  }
0x427: {  	_ =	shalt  }

// kernel: kernel.8.cloned.1.call-start
scs
__scs_entry_jumppad:
0x0: {  	(pc) =	sbr.rel $0x88, $3  }
0x1: {  	(tag) =	ssettag $0x0;
	lr =	simm.s32 $0x1  }
0x2: {  	[smem:$0x3F98] =	sst lr;
	_ =	strace $0xD0000000  }
0x3: {  	_ = 	snop  }
0x4: {  	_ = 	snop  }
0x5: {  	_ = 	snop  }
0x6: {  	_ = 	snop  }
0x7: {  	_ = 	snop  }
__scs_overlays_trampoline_lowered:
0x8: {  	[smem:$0x3FA7] =	sst s0  }
0x9: {  	[smem:$0x3FA8] =	sst s1  }
0xa: {  	[smem:$0x3FA9] =	sst s2  }
0xb: {  	[smem:$0x3FAA] =	sst s3  }
0xc: {  	[smem:$0x3FAB] =	sst s4  }
0xd: {  	[smem:$0x3FAC] =	sst s5  }
0xe: {  	[smem:$0x3FAD] =	sst s6  }
0xf: {  	[smem:$0x3FAE] =	sst s7  }
0x10: {  	[smem:$0x3FAF] =	sst s8  }
0x11: {  	[smem:$0x3FB0] =	sst s9;
	s0 =	simm.s32 @!p0 $0x0  }
0x12: {  	s1 =	sld [smem:$0x3F96];
	s0 =	simm.s32 @p0 $0x1  }
0x13: {  	[smem:$0x3FB1] =	sst s0;
	s0 =	simm.s32 @!p1 $0x0  }
0x14: {  	s2 =	sld [smem:$0x3F95];
	s0 =	simm.s32 @p1 $0x1  }
0x15: {  	[smem:$0x3FB2] =	sst s0;
	s0 =	simm.s32 @!p2 $0x0  }
0x16: {  	s3 =	sld [smem:$0x3FDB];
	s0 =	simm.s32 @p2 $0x1  }
0x17: {  	s4 =	simm.s32 $0x1BF5;
	[smem:$0x3FB4] =	sst s0  }
0x18: {  	s0 =	sld [smem:$0x3F97];
	_ =	swait.ge [sflag:s4], $0x0  }
0x19: {  	s7 =	sld [smem:$0x3F98]  }
0x1a: {  	s8 =	sadd.s32 $0xFFFFE003, lr  }
0x1b: {  	s9 =	sadd.s32 $0xFFFFFEF7, lr;
	s5 =	simm.s32 $0xFFFFFFFF;
	p2 =	slt.u32 s8, $0xFFFFF086  }
0x1c: {  	p1 =	slt.u32 s9, $0xF7A;
	s5 =	simm.s32 @!p2 $0x0  }
0x1d: {  	s5 =	simm.s32 @p1 $0x1;
	p0 =	seq.s32 s7, s2  }
0x1e: {  	s7 =	smul.u32 @!p0 $0xF7A, s2;
	p2 =	seq.s32 @!p0 s5, $0x0  }
0x1f: {  	s9 =	smul.u32 $0xF7A, s1;
	s8 =	simm.s32 @!p0 $0x1BF5;
	p2 =	por !p2, p0  }
0x20: {  	[sflag:s8] =	ssyncset.s32 @!p0 $0xFFFFF086;
	s6 =	sadd.s32 @!p0 s3, s7;
	s7 =	simm.s32 @!p0 $0x108  }
0x21: {  	s3 =	sadd.s32 s3, s9;
	s6 =	sadd.s32 @!p0 $0x88, s6;
	s7 =	simm.s32 @p2 $0x1082  }
0x22: {  	[simem:s7], [sflag:s8] =	dma.local @!p0 [hbm:s6], $0xF7A  }
0x23: {  	s9 =	sor.u32 $0xD0000000, s2;
	s6 =	simm.s32 $0x108;
	_ =	swait.ge @!p0 [sflag:s8], $0x0  }
0x24: {  	s3 =	sadd.s32 $0x88, s3;
	s6 =	simm.s32 @!p1 $0x1082;
	[sflag:s4] =	ssyncset.s32 $0xFFFFF086  }
0x25: {  	[simem:s6], [sflag:s4] =	dma.local [hbm:s3], $0xF7A  }
0x26: {  	[smem:$0x3F98] =	sst s1;
	(tag) =	ssettag s2;
	_ =	strace s9  }
0x27: {  	s1 =	sld [smem:$0x3FA8]  }
0x28: {  	s2 =	sld [smem:$0x3FA9]  }
0x29: {  	s4 =	sld [smem:$0x3FAB]  }
0x2a: {  	p0 =	seq.s32 s5, $0x0;
	s5 =	sld [smem:$0x3FAC]  }
0x2b: {  	s6 =	sld [smem:$0x3FAD]  }
0x2c: {  	s7 =	sld [smem:$0x3FAE]  }
0x2d: {  	s3 =	simm.s32 $0x108;
	s8 =	sld [smem:$0x3FAF]  }
0x2e: {  	s3 =	simm.s32 @!p0 $0x1082;
	s9 =	sld [smem:$0x3FB0]  }
0x2f: {  	lr =	sadd.s32 s0, s3;
	s0 =	sld [smem:$0x3FA7]  }
0x30: {  	s3 =	sld [smem:$0x3FAA]  }
0x31: {  	[smem:$0x3FB3] =	sst s10  }
0x32: {  	s10 =	sld [smem:$0x3FB1];
	_ =	sdelay $0x3  }
0x33: {  	p0 =	seq.s32 s10, $0x1;
	s10 =	sld [smem:$0x3FB3];
	_ =	sdelay $0x3  }
0x34: {  	[smem:$0x3FB3] =	sst s10  }
0x35: {  	s10 =	sld [smem:$0x3FB2];
	_ =	sdelay $0x3  }
0x36: {  	p1 =	seq.s32 s10, $0x1;
	s10 =	sld [smem:$0x3FB3];
	_ =	sdelay $0x3  }
0x37: {  	[smem:$0x3FB3] =	sst s10  }
0x38: {  	s10 =	sld [smem:$0x3FB4]  }
0x39: {  	_ = 	snop;
	(pc) =	sbr.ind lr, $3  }
0x3a: {  	_ = 	snop  }
0x3b: {  	_ = 	snop  }
0x3c: {  	p2 =	seq.s32 s10, $0x1;
	s10 =	sld [smem:$0x3FB3]  }
0x3d: {  	_ =	shalt  }
0x3e: {  	_ =	shalt  }
0x3f: {  	_ =	shalt  }
0x40: {  	_ =	shalt  }
0x41: {  	_ =	shalt  }
0x42: {  	_ =	shalt  }
0x43: {  	_ =	shalt  }
0x44: {  	_ =	shalt  }
0x45: {  	_ =	shalt  }
0x46: {  	_ =	shalt  }
0x47: {  	_ =	shalt  }
0x48: {  	_ =	shalt  }
0x49: {  	_ =	shalt  }
0x4a: {  	_ =	shalt  }
0x4b: {  	_ =	shalt  }
0x4c: {  	_ =	shalt  }
0x4d: {  	_ =	shalt  }
0x4e: {  	_ =	shalt  }
0x4f: {  	_ =	shalt  }
0x50: {  	_ =	shalt  }
0x51: {  	_ =	shalt  }
0x52: {  	_ =	shalt  }
0x53: {  	_ =	shalt  }
0x54: {  	_ =	shalt  }
0x55: {  	_ =	shalt  }
0x56: {  	_ =	shalt  }
0x57: {  	_ =	shalt  }
0x58: {  	_ =	shalt  }
0x59: {  	_ =	shalt  }
0x5a: {  	_ =	shalt  }
0x5b: {  	_ =	shalt  }
0x5c: {  	_ =	shalt  }
0x5d: {  	_ =	shalt  }
0x5e: {  	_ =	shalt  }
0x5f: {  	_ =	shalt  }
0x60: {  	_ =	shalt  }
0x61: {  	_ =	shalt  }
0x62: {  	_ =	shalt  }
0x63: {  	_ =	shalt  }
0x64: {  	_ =	shalt  }
0x65: {  	_ =	shalt  }
0x66: {  	_ =	shalt  }
0x67: {  	_ =	shalt  }
0x68: {  	_ =	shalt  }
0x69: {  	_ =	shalt  }
0x6a: {  	_ =	shalt  }
0x6b: {  	_ =	shalt  }
0x6c: {  	_ =	shalt  }
0x6d: {  	_ =	shalt  }
0x6e: {  	_ =	shalt  }
0x6f: {  	_ =	shalt  }
0x70: {  	_ =	shalt  }
0x71: {  	_ =	shalt  }
0x72: {  	_ =	shalt  }
0x73: {  	_ =	shalt  }
0x74: {  	_ =	shalt  }
0x75: {  	_ =	shalt  }
0x76: {  	_ =	shalt  }
0x77: {  	_ =	shalt  }
0x78: {  	_ =	shalt  }
0x79: {  	_ =	shalt  }
0x7a: {  	_ =	shalt  }
0x7b: {  	_ =	shalt  }
0x7c: {  	_ =	shalt  }
0x7d: {  	_ =	shalt  }
0x7e: {  	_ =	shalt  }
0x7f: {  	_ =	shalt  }
0x80: {  	_ =	shalt  }
0x81: {  	_ =	shalt  }
0x82: {  	_ =	shalt  }
0x83: {  	_ =	shalt  }
0x84: {  	_ =	shalt  }
0x85: {  	_ =	shalt  }
0x86: {  	_ =	shalt  }
0x87: {  	_ =	shalt  }
.Lfunc_end0:
.L_simem_size_0:
called_computation.1_lowered:
.L_overlay_start_0:
0x88: {  	s2 =	sld [smem:$0x3FD9]  }
0x89: {  	s3 =	sld [smem:$0x3FFE];
	_ =	sdelay $0x1  }
0x8a: {  	s1 =	srdreg.scid  }
0x8b: {  	s0 =	sand.u32 $0x1, s1  }
0x8c: {  	s17 =	sshll.u32 s0, $0xA;
	s2 =	sadd.s32 s3, s2  }
0x8d: {  	s2 =	sadd.s32 s2, s17  }
0x8e: {  	[smem:$0x3FBF] =	sst s2  }
0x8f: {  	_ = 	snop  }
0x90: {  	s2 =	sld [smem:$0x3FC9];
	(tm) =	ssettm $0x1  }
0x91: {  	s18 =	sld [smem:$0x3FFB];
	_ =	sdelay $0x3  }
0x92: {  	_ =	strace s18  }
0x93: {  	s3 =	sld [smem:$0x3FFC];
	_ =	sdelay $0x3  }
0x94: {  	_ =	strace s3  }
0x95: {  	s3 =	sld [smem:$0x3FFD];
	_ =	sdelay $0x3  }
0x96: {  	_ =	strace s3  }
0x97: {  	_ =	strace $0x8FFFFFFF  }
0x98: {  	s19 =	sld [smem:$0x3FDB];
	_ =	sdelay $0x1  }
0x99: {  	s4 =	simm.s32 $_scs_section_size  }
0x9a: {  	s5 =	simm.s32 $_size__tile_overlayer_lowered;
	s6 =	simm.s32 $_tile_overlayer_lowered  }
0x9b: {  	s22 =	simm.s32 $0x1BFF;
	s21 =	sshll.u32 s6, $0x1;
	s3 =	sadd.s32 s4, s19  }
0x9c: {  	s7 =	simm.s32 $0x0;
	s20 =	sshll.u32 s5, $0x1;
	s5 =	sadd.s32 s21, s3  }
0x9d: {  	[timem:s7], [sflag:s22] =	dma.local [hbm:s5], s20  }
0x9e: {  	_ =	swait.ge [sflag:s22], s20  }
0x9f: {  	s4 =	ssub.s32 $0x0, s20;
	[sflag:s22] =	ssyncset.done $0x0  }
0xa0: {  	[sflag:s22] =	ssyncadd.s32 s4;
	_ =	sdelay $0x1  }
0xa1: {  	s23 =	simm.s32 $0x1B8B  }
0xa2: {  	_ =	swait.ge [sflag:s23], $0x1  }
0xa3: {  	[sflag:s23] =	ssyncset.done $0x0  }
0xa4: {  	s25 =	simm.s32 $0x1B8E;
	s24 =	sld [smem:$0x3FFE];
	[sflag:s23] =	ssyncadd.s32 $0xFFFFFFFF  }
0xa5: {  	s26 =	simm.s32 $execute0_lowered;
	[smem:$0x3FD2] =	sst s25  }
0xa6: {  	s5 =	sshll.u32 s26, $0x1;
	_ =	strace $0x80000049;
	[dreg:$0x1] =	wrdreg $0xFFFFFFFF  }
0xa7: {  	s28 =	simm.s32 $_size_execute0_lowered;
	s3 =	sadd.s32 s3, s5;
	[dreg:$0x0] =	wrdreg $0x0  }
0xa8: {  	s5 =	sshll.u32 s28, $0x1;
	[dreg:$0x2] =	wrdreg s3  }
0xa9: {  	[dreg:$0x3] =	wrdreg s5  }
0xaa: {  	[dreg:$0x4] =	wrdreg $0xC0  }
0xab: {  	_ =	task [dreg:s7], $0x5FFFF  }
0xac: {  	[dreg:$0x1] =	wrdreg $0xFFFFFFFF  }
0xad: {  	[dreg:$0x0] =	wrdreg $0x60  }
0xae: {  	[dreg:$0x2] =	wrdreg s2  }
0xaf: {  	[dreg:$0x3] =	wrdreg s24  }
0xb0: {  	[dreg:$0x4] =	wrdreg $0x9  }
0xb1: {  	_ =	task.clear_ibuf [dreg:s7], $0x5FFFF;
	_ =	strace $0x90000049  }
0xb2: {  	s29 =	simm.s32 $0x9;
	_ =	strace $0x8000004B  }
0xb3: {  	_ =	swait.ge [sflag:s29], $0x1  }
0xb4: {  	[sflag:s29] =	ssyncadd.s32 $0xFFFFFFFF  }
0xb5: {  	_ =	strace $0x9000004B  }
0xb6: {  	_ =	sfence  }
0xb7: {  	s30 =	sld [smem:$0x0];
	_ =	sdelay $0x2  }
0xb8: {  	s31 =	sshll.u32 s1, $0xD;
	s1 =	sshrl.u32 s1, $0x2  }
0xb9: {  	s3 =	sand.u32 $0x4000, s31;
	s1 =	sadd.s32 s1, s30  }
0xba: {  	s0 =	sor.u32 s3, s0;
	s1 =	sshll.u32 s1, $0x11  }
0xbb: {  	s0 =	sor.u32 s1, s0  }
0xbc: {  	s0 =	sadd.s32 $0x8F2B, s0  }
0xbd: {  	[sflag:s0] =	ssyncadd.remote.s32 $0x1  }
0xbe: {  	_ =	sfence.sel $0xFFFF  }
0xbf: {  	[dreg:$0x0] =	wrdreg $0xFFFFFFFF;
	(pc) =	sbr.abs _section_cstart, $3  }
0xc0: {  	[dreg:$0x1] =	wrdreg $0xFFFFFFFF  }
0xc1: {  	_ =	task.clear_ibuf [dreg:s7], $0x2FFFF;
	_ =	strace $0x9FFFFFFF  }
0xc2: {  	(tm) =	ssettm $0x7FFFFFFF  }
0xc3: {  	_ =	shalt  }
tec
execute0_lowered:
.L_overlay_start_1:
0x0: {  	(tag) =	ssettag $0x1  }
0x1: {  	s4 =	rddreg [dreg:$0x0]  }
0x2: {  	s5 =	rddreg [dreg:$0x1]  }
0x3: {  	s0 =	rddreg [dreg:$0x2];
	s3 =	srdreg.scid  }
0x4: {  	s2 =	simm.s32 $0x0;
	s1 =	stileid.u32;
	s9 =	simm.s32 $0x8000  }
0x5: {  	s10 =	simm.s32 $0x1800;
	s11 =	simm.s32 $0x3;
	s12 =	simm.s32 $0x80  }
0x6: {  	s13 =	simm.s32 $0x1C00;
	s14 =	simm.s32 $0x5C00;
	s15 =	simm.s32 $0x1  }
0x7: {  	s16 =	simm.s32 $0x2;
	s17 =	simm.s32 $0x9C00;
	s18 =	simm.s32 $0x0  }
0x8: {  	s6 =	sand.u32 $0x1, s3;
	[smem:$0x7FF] =	sst s2;
	s29 =	sshll.u32 s1, $0x8  }
.Ltmp0:
0x9: {  	s3 =	sadd.s32 $0x4B5600, s5;
	s7 =	sshll.u32 s6, $0x7;
	(pc) =	sbr.rel .LBB2_1-.Ltmp0, $4  }
0xa: {  	_ =	strace $0x8000004A;
	s6 =	ssub.s32 $0x2, s6;
	s7 =	sor.u32 s7, s29  }
0xb: {  	s30 =	sshrl.u32 s6, $0x1;
	s8 =	sshll.u32 s7, $0x4;
	s4 =	sadd.s32 s4, s7  }
0xc: {  	s31 =	ssub.s32 s6, s30;
	s8 =	sadd.s32 s8, s5;
	s5 =	sadd.s32 $0x6000, s4  }
0xd: {  	v0 =	vimm.f32 $0.0e+00;
	s7 =	smax.u32 s31, $0x1;
	s6 =	sadd.s32 $0x1800, s8;
	s8 =	simm.s32 $0x400  }
.LBB2_10:
0xe: {  	s18 =	sadd.s32 $0x1, s18  }
0xf: {  	p0 =	sne.s32 s18, s7  }
.Ltmp1:
0x10: {  	_ = 	snop;
	(pc) =	sbr.rel @!p0 .LBB2_11-.Ltmp1, $4  }
0x11: {  	[hbm4b:s6+s2] =	stream.linear.scatter [tilespmem:s17], [sflag:$0x3], $0x4000, $0x38;
	[tilespmem:$0xDC00] =	vst v63  }
0x12: {  	_ =	swait.ge [sflag:s11], $0x4000  }
0x13: {  	[sflag:s11] =	ssyncset.done $0x0  }
0x14: {  	[sflag:s11] =	ssyncadd.s32 $0xFFFFC000  }
.LBB2_1:
0x15: {  	[tilespmem:s2], [sflag:$0x3] =	stream.strided.gather [hbm4b:s4+s8], $0x1800, s9, s8, $0x38;
	[tilespmem:$0xDC00] =	vst v63  }
0x16: {  	_ = 	snop  }
0x17: {  	[tilespmem:s10], [sflag:$0x3] =	stream.linear.gather [hbm4b:s5+s2], $0x100, $0x38;
	[tilespmem:$0xDC00] =	vst v63  }
0x18: {  	_ =	swait.ge [sflag:s11], $0x1900  }
0x19: {  	[sflag:s11] =	ssyncset.done $0x0  }
0x1a: {  	[sflag:s11] =	ssyncadd.s32 $0xFFFFE700  }
0x1b: {  	[tilespmem:s13], [sflag:$0x1] =	stream.indirect.gather [hbm4b:s3+s12], $0x80, s2, s12, $0xb8;
	[tilespmem:$0xDC00] =	vst v63  }
0x1c: {  	s19 =	simm.s32 $0x200;
	s20 =	simm.s32 $0x0  }
0x1d: {  	[tilespmem:s14], [sflag:$0x2] =	stream.indirect.gather [hbm4b:s3+s12], $0x80, s12, s12, $0xb8;
	[tilespmem:$0xDC00] =	vst v63  }
.LBB2_2:
0x1e: {  	p0 =	sne.s32 s19, $0xFE00;
	[tilespmem:s20+$0x9C20] =	vst v0;
	s21 =	smov.u32 s19;
	s19 =	sadd.s32 $0x200, s19  }
.Ltmp2:
0x1f: {  	[tilespmem:s20+$0x9C00] =	vst v0;
	(pc) =	sbr.rel @p0 .LBB2_2-.Ltmp2, $2  }
0x20: {  	[tilespmem:s20+$0x9C10] =	vst v0;
	_ =	sdelay $0x2  }
0x21: {  	s20 =	sshra.s32 s21, $0x2  }
0x22: {  	[tilespmem:s20+$0x9C20] =	vst v0  }
0x23: {  	[tilespmem:s20+$0x9C00] =	vst v0  }
0x24: {  	s19 =	simm.s32 $0x0;
	[tilespmem:s20+$0x9C10] =	vst v0  }
.LBB2_4:
0x25: {  	_ =	swait.ge [sflag:s15], $0x4000  }
0x26: {  	[sflag:s15] =	ssyncset.done $0x0  }
0x27: {  	s21 =	simm.s32 $0x0;
	[sflag:s15] =	ssyncadd.s32 $0xFFFFC000  }
0x28: {  	v3 =	vld [tilespmem:s21+$0x1C70]  }
0x29: {  	v1 =	vld [tilespmem:s21+$0x1C50]  }
0x2a: {  	v2 =	vld [tilespmem:s21+$0x1C60];
	_ =	sdelay $0x1  }
0x2b: {  	s20 =	simm.s32 $0x200  }
.LBB2_5:
0x2c: {  	s22 =	sshra.s32 s20, $0x2;
	p0 =	sne.s32 s20, $0xFE00;
	s20 =	sadd.s32 $0x200, s20;
	[tilespmem:s21+$0x9C20] =	vst.add.f32.msk $0xffff, v3  }
.Ltmp3:
0x2d: {  	v3 =	vld [tilespmem:s22+$0x1C70];
	v4 =	vmov v1;
	(pc) =	sbr.rel @p0 .LBB2_5-.Ltmp3, $4  }
0x2e: {  	v1 =	vld [tilespmem:s22+$0x1C50];
	v5 =	vmov v2  }
0x2f: {  	v2 =	vld [tilespmem:s22+$0x1C60]  }
0x30: {  	[tilespmem:s21+$0x9C00] =	vst.add.f32.msk $0xffff, v4  }
0x31: {  	[tilespmem:s21+$0x9C10] =	vst.add.f32.msk $0xffff, v5;
	s21 =	smov.u32 s22  }
0x32: {  	[tilespmem:s21+$0x9C20] =	vst.add.f32.msk $0xffff, v3;
	s20 =	sshll.u32 s19, $0xA;
	p0 =	seq.s32 s19, $0x18  }
0x33: {  	[tilespmem:s21+$0x9C00] =	vst.add.f32.msk $0xffff, v1;
	s22 =	sshrl.u32 @!p0 s20, $0x2  }
0x34: {  	s23 =	simm.s32 @!p0 $0x1C00;
	[tilespmem:s21+$0x9C10] =	vst.add.f32.msk $0xffff, v2;
	s21 =	sadd.s32 @!p0 $0x100, s22;
	s22 =	simm.s32 @!p0 $0x80  }
0x35: {  	[tilespmem:s23], [sflag:$0x1] =	stream.indirect.gather @!p0 [hbm4b:s3+s22], $0x80, s21, s22, $0xb8;
	[tilespmem:$0xDC00] =	vst v63  }
0x36: {  	_ =	swait.ge [sflag:s16], $0x4000  }
0x37: {  	[sflag:s16] =	ssyncset.done $0x0  }
0x38: {  	s21 =	simm.s32 $0x0;
	[sflag:s16] =	ssyncadd.s32 $0xFFFFC000  }
0x39: {  	v1 =	vld [tilespmem:s21+$0x5C70]  }
0x3a: {  	v2 =	vld [tilespmem:s21+$0x5C50]  }
0x3b: {  	v3 =	vld [tilespmem:s21+$0x5C60];
	_ =	sdelay $0x1  }
0x3c: {  	s22 =	simm.s32 $0x200  }
.LBB2_7:
0x3d: {  	s23 =	sshra.s32 s22, $0x2;
	p1 =	sne.s32 s22, $0xFE00;
	s22 =	sadd.s32 $0x200, s22;
	[tilespmem:s21+$0x9C20] =	vst.add.f32.msk $0xffff, v1  }
.Ltmp4:
0x3e: {  	v1 =	vld [tilespmem:s23+$0x5C70];
	v4 =	vmov v2;
	(pc) =	sbr.rel @p1 .LBB2_7-.Ltmp4, $4  }
0x3f: {  	v2 =	vld [tilespmem:s23+$0x5C50];
	v5 =	vmov v3  }
0x40: {  	v3 =	vld [tilespmem:s23+$0x5C60]  }
0x41: {  	[tilespmem:s21+$0x9C00] =	vst.add.f32.msk $0xffff, v4  }
0x42: {  	[tilespmem:s21+$0x9C10] =	vst.add.f32.msk $0xffff, v5;
	s21 =	smov.u32 s23  }
.Ltmp5:
0x43: {  	(pc) =	sbr.rel @p0 .LBB2_10-.Ltmp5, $4  }
0x44: {  	_ = 	snop  }
0x45: {  	[tilespmem:s21+$0x9C20] =	vst.add.f32.msk $0xffff, v1  }
0x46: {  	[tilespmem:s21+$0x9C00] =	vst.add.f32.msk $0xffff, v2  }
0x47: {  	[tilespmem:s21+$0x9C10] =	vst.add.f32.msk $0xffff, v3  }
.Ltmp6:
0x48: {  	(pc) =	sbr.rel .LBB2_4-.Ltmp6, $4  }
0x49: {  	_ = 	snop  }
0x4a: {  	s20 =	sshrl.u32 s20, $0x2  }
0x4b: {  	s19 =	sadd.s32 $0x1, s19;
	s20 =	sadd.s32 $0x180, s20  }
0x4c: {  	[tilespmem:s14], [sflag:$0x2] =	stream.indirect.gather [hbm4b:s3+s12], $0x80, s20, s12, $0xb8;
	[tilespmem:$0xDC00] =	vst v63  }
.LBB2_11:
0x4d: {  	_ =	sfence.sel $0x180000  }
0x4e: {  	[bflag:$0x0] =	sbarrier.arrive $0xFFFF  }
0x4f: {  	p0 =	sne.s32 s1, $0x0;
	_ =	strace $0x9000004A  }
0x50: {  	s0 =	sadd.s32 @!p0 $0x100000, s0;
	[bflag:$0x2] =	sbarrier.arrive $0xFFFF  }
0x51: {  	[sflag:s0] =	ssyncadd.tile.s32 @!p0 $0x1;
	_ =	shalt  }
.Lfunc_end2:
_tile_overlayer_lowered:
.L_overlay_start_2:
0x52: {  	(tag) =	ssettag $0x2  }
0x53: {  	s0 =	rddreg [dreg:$0x0];
	s2 =	stileid.u32  }
0x54: {  	s1 =	rddreg [dreg:$0x1];
	p0 =	sne.s32 s2, $0x0  }
0x55: {  	s3 =	rddreg [dreg:$0x2];
	[bflag:$0x3] =	sbarrier.arrive $0xFFFF;
	s2 =	simm.s32 @!p0 $0x1C03  }
0x56: {  	[timem:s3], [sflag:s2] =	dma.local @!p0 [hbm:s0], s1  }
0x57: {  	s0 =	simm.s32 @!p0 $0x3  }
0x58: {  	_ =	swait.ge @!p0 [sflag:s0], s1  }
0x59: {  	s1 =	ssub.s32 @!p0 $0x0, s1;
	[sflag:s0] =	ssyncset.done @!p0 $0x0  }
0x5a: {  	[sflag:s0] =	ssyncadd.s32 @!p0 s1  }
0x5b: {  	[bflag:$0x3] =	sbarrier.arrive $0xFFFF  }
0x5c: {  	_ =	shalt  }

</sc_bundles>
